<compile_context>
chip_gen: v7x
topology: tpu7x:2x2x1
jax: 0.10.2.dev20260603
libtpu: 0.0.44.dev20260713+nightly
codegen_flags: <defaults>
</compile_context>

<pallas_src>
import functools

import jax
import jax.numpy as jnp
from jax import lax
from jax.experimental import pallas as pl
from jax.experimental.pallas import tpu as pltpu
from jax.experimental.pallas import tpu_sc as plsc

B = 4
N = 10000
E = 320000
D_V = 128
D_E = 16
D_C = 128
D_OUT = 128

E_SC = 40960
E_TC = E - E_SC


NC = 2
NS = 16
NW = NC * NS
SEG = E_SC // 4
CW = 2048
NCHUNK = SEG // CW
GU = 4

_sc_mesh = plsc.VectorSubcoreMesh(core_axis_name="c", subcore_axis_name="s")


@functools.partial(
    pl.kernel,
    mesh=_sc_mesh,
    compiler_params=pltpu.CompilerParams(use_tc_tiling_on_sc=True),
    out_type=jax.ShapeDtypeStruct((NW, 8, D_E), jnp.float32),
    scratch_types=[
        pltpu.VMEM((8, CW), jnp.float32),
        pltpu.VMEM((8, CW), jnp.float32),
        pltpu.VMEM((8, D_E), jnp.float32),
        pltpu.SemaphoreType.DMA,
        pltpu.SemaphoreType.DMA,
    ],
)
def _edge_sc(edge_hbm, out_hbm, buf0, buf1, acc_v, sem0, sem1):
    c = lax.axis_index("c")
    s = lax.axis_index("s")
    w = s * NC + c
    g = w // 8
    rt = (w // 4) % 2
    seg = w % 4
    row0 = rt * 8
    col0 = E_TC + seg * SEG

    bufs = (buf0, buf1)
    sems = (sem0, sem1)

    pltpu.async_copy(
        edge_hbm.at[g, pl.ds(row0, 8), pl.ds(col0, CW)], buf0, sem0)
    pltpu.async_copy(
        edge_hbm.at[g, pl.ds(row0, 8), pl.ds(col0 + CW, CW)], buf1, sem1)

    zero = jnp.zeros((D_E,), jnp.float32)
    accs = (zero,) * 8

    def chunk_body(k2, accs):
        for half in range(2):
            buf = bufs[half]
            sem = sems[half]
            chunk = 2 * k2 + half
            pltpu.make_async_copy(
                edge_hbm.at[g, pl.ds(row0, 8), pl.ds(col0, CW)],
                buf, sem).wait()

            def inner(i, accs):
                accs = list(accs)
                for u in range(GU):
                    off = (i * GU + u) * D_E
                    for r in range(8):
                        accs[r] = accs[r] + buf[r, pl.ds(off, D_E)]
                return tuple(accs)

            accs = lax.fori_loop(0, CW // (GU * D_E), inner, accs)

            @pl.when(chunk + 2 < NCHUNK)
            def _():
                pltpu.async_copy(
                    edge_hbm.at[g, pl.ds(row0, 8),
                                pl.ds(col0 + (chunk + 2) * CW, CW)],
                    buf, sem)
        return accs

    accs = lax.fori_loop(0, NCHUNK // 2, chunk_body, accs)

    for r in range(8):
        acc_v[r] = accs[r]
    pltpu.sync_copy(acc_v, out_hbm.at[w])



G = 10
V_C = N // G
EC_TC = E_TC // G


def _tc_body(v_ref, e_ref, vagg_ref, etc_ref, acc_v, acc_e):
    i = pl.program_id(0)

    @pl.when(i == 0)
    def _init():
        acc_v[...] = jnp.zeros_like(acc_v)
        acc_e[...] = jnp.zeros_like(acc_e)

    acc_v[...] += jnp.sum(v_ref[...].reshape(B, V_C // 8, 8, D_V), axis=1)
    acc_e[...] += jnp.sum(e_ref[...].reshape(B, D_E, EC_TC // 128, 128), axis=2)

    @pl.when(i == pl.num_programs(0) - 1)
    def _final():
        vagg_ref[...] = jnp.sum(acc_v[...], axis=1) * (1.0 / N)
        etc_ref[...] = jnp.sum(acc_e[...], axis=2)


def _tc_reduce(vertex, edge_t):
    return pl.pallas_call(
        _tc_body,
        grid=(G,),
        in_specs=[
            pl.BlockSpec((B, V_C, D_V), lambda i: (0, i, 0)),
            pl.BlockSpec((B, D_E, EC_TC), lambda i: (0, 0, i)),
        ],
        out_specs=[
            pl.BlockSpec((B, D_V), lambda i: (0, 0)),
            pl.BlockSpec((B, D_E), lambda i: (0, 0)),
        ],
        out_shape=[
            jax.ShapeDtypeStruct((B, D_V), jnp.float32),
            jax.ShapeDtypeStruct((B, D_E), jnp.float32),
        ],
        scratch_shapes=[
            pltpu.VMEM((B, 8, D_V), jnp.float32),
            pltpu.VMEM((B, D_E, 128), jnp.float32),
        ],
    )(vertex, edge_t)



def _combine_body(ctx_ref, vagg_ref, etc_ref, esc_ref, w_ref, b_ref, out_ref):
    esc = esc_ref[...].reshape(B, 2, 4, 8, D_E)
    e_sc = jnp.sum(esc, axis=(2, 4))
    e_sum = etc_ref[...] + e_sc.reshape(B, D_E)
    e_agg = e_sum * (1.0 / E)
    out_ref[...] = (
        jnp.dot(ctx_ref[...], w_ref[0:D_C], preferred_element_type=jnp.float32)
        + jnp.dot(vagg_ref[...], w_ref[D_C:D_C + D_V],
                  preferred_element_type=jnp.float32)
        + jnp.dot(e_agg, w_ref[D_C + D_V:D_C + D_V + D_E],
                  preferred_element_type=jnp.float32)
        + b_ref[...]
    )


def _combine(ctx, v_agg, e_tc, e_sc, W, b_r):
    return pl.pallas_call(
        _combine_body,
        out_shape=jax.ShapeDtypeStruct((B, D_OUT), jnp.float32),
    )(ctx, v_agg, e_tc, e_sc, W, b_r)


def kernel(context, vertex, edge, W, b):
    ctx = context.reshape(B, D_C)
    b_r = b.reshape(1, D_OUT)
    edge_t = jnp.transpose(edge, (0, 2, 1))
    e_sc = _edge_sc(edge_t)
    v_agg, e_tc = _tc_reduce(vertex, edge_t)
    out = _combine(ctx, v_agg, e_tc, e_sc, W, b_r)
    return out.reshape(B, 1, D_OUT)

# --- scband reference (transcript-rebuilt; emitter-appended) ---
"""Pipeline reference for scband-global-block-2740189135080 (READ-ONLY COPY).

The authoritative reference and input builder live on the scoring server;
editing this copy changes nothing except your own understanding.
"""

import jax, jax.numpy as jnp
import numpy as np

B = 4
N = 10000
E = 320000
D_V = 128
D_E = 16
D_C = 128
D_OUT = 128
D_IN = D_C + D_V + D_E  # 272


def setup_inputs(seed: int = 0) -> dict:
    key = jax.random.key(seed)
    k1, k2, k3, k4 = jax.random.split(key, 4)
    context = jax.random.normal(k1, (B, 1, D_C), dtype=jnp.float32)
    vertex = jax.random.normal(k2, (B, N, D_V), dtype=jnp.float32)
    edge = jax.random.normal(k3, (B, E, D_E), dtype=jnp.float32)
    W = jax.random.normal(k4, (D_IN, D_OUT), dtype=jnp.float32) * (1.0 / np.sqrt(D_IN))
    b = jnp.zeros((D_OUT,), dtype=jnp.float32)
    return {"context": context, "vertex": vertex, "edge": edge, "W": W, "b": b}


def reference(context, vertex, edge, W, b):
    # GlobalBlock (non-independent): for the single context type 't',
    #   tin = stack of per-graph context data           -> [B, 1, D_C]
    #   vertex aggregator: mean over each graph's nodes -> [B, 1, D_V]
    #   edge aggregator:   mean over each graph's edges -> [B, 1, D_E]
    #   tin = cat((tin, v_agg, e_agg), dim=2)           -> [B, 1, D_IN]
    #   tout = updaters['context'](tin)  (Linear)       -> [B, 1, D_OUT]
    v_agg = jnp.mean(vertex, axis=1, keepdims=True)
    e_agg = jnp.mean(edge, axis=1, keepdims=True)
    tin = jnp.concatenate([context, v_agg, e_agg], axis=2)
    tout = jnp.dot(tin, W) + b
    return tout

if __name__ == "__main__":
    import jax
    _d = setup_inputs()
    print(jax.jit(kernel)(*tuple(_d.values())))

</pallas_src>

<mosaic_0001>
#map = affine_map<(d0, d1) -> (0, 0, 0)>
module attributes {stable_mosaic.version = 14 : i64} {
  func.func @_edge_sc(%arg0: i32, %arg1: i32, %arg2: memref<4x16x320000xf32, #tpu.memory_space<hbm>>, %arg3: memref<32x8x16xf32, #tpu.memory_space<hbm>>, %arg4: memref<8x2048xf32, #tpu.memory_space<vmem>>, %arg5: memref<8x2048xf32, #tpu.memory_space<vmem>>, %arg6: memref<8x16xf32, #tpu.memory_space<vmem>>, %arg7: memref<!tpu.dma_semaphore, #tpu.memory_space<semaphore_mem>>, %arg8: memref<!tpu.dma_semaphore, #tpu.memory_space<semaphore_mem>>) attributes {dimension_semantics = [#tpu.dimension_semantics<core_parallel>, #tpu.dimension_semantics<subcore_parallel>], iteration_bounds = array<i64: 2, 16>, scalar_prefetch = 0 : i64, scratch_operands = 5 : i64, tpu.core_type = #tpu.core_type<sc_vector_subcore>, window_params = [{transform_indices = #map}, {transform_indices = #map}]} {
    %mul3A = arith.constant 2 : i32
    %mul3A_0 = arith.muli %arg1, %mul3A : i32
    %add3A = arith.addi %mul3A_0, %arg0 : i32
    %jit3A = arith.constant 8 : i32
    %div3A = arith.divsi %add3A, %jit3A : i32
    %sign3A = arith.constant 0 : i32
    %sign3A_1 = arith.cmpi sgt, %add3A, %sign3A : i32
    %sign3A_2 = arith.extui %sign3A_1 : i1 to i32
    %sign3A_3 = arith.constant 0 : i32
    %sign3A_4 = arith.cmpi slt, %add3A, %sign3A_3 : i32
    %sign3A_5 = arith.extui %sign3A_4 : i1 to i32
    %sign3A_6 = arith.subi %sign3A_2, %sign3A_5 : i32
    %sign3A_7 = arith.constant 0 : i32
    %sign3A_8 = arith.cmpi sgt, %jit3A, %sign3A_7 : i32
    %sign3A_9 = arith.extui %sign3A_8 : i1 to i32
    %sign3A_10 = arith.constant 0 : i32
    %sign3A_11 = arith.cmpi slt, %jit3A, %sign3A_10 : i32
    %sign3A_12 = arith.extui %sign3A_11 : i1 to i32
    %sign3A_13 = arith.subi %sign3A_9, %sign3A_12 : i32
    %ne3A = arith.cmpi ne, %sign3A_6, %sign3A_13 : i32
    %rem3A = arith.remsi %add3A, %jit3A : i32
    %ne3A_14 = arith.constant 0 : i32
    %ne3A_15 = arith.cmpi ne, %rem3A, %ne3A_14 : i32
    %and3A = arith.andi %ne3A, %ne3A_15 : i1
    %sub3A = arith.constant 1 : i32
    %sub3A_16 = arith.subi %div3A, %sub3A : i32
    %select_n3A = arith.select %and3A, %sub3A_16, %div3A : i32
    %jit3A_17 = arith.constant 4 : i32
    %div3A_18 = arith.divsi %add3A, %jit3A_17 : i32
    %sign3A_19 = arith.constant 0 : i32
    %sign3A_20 = arith.cmpi sgt, %add3A, %sign3A_19 : i32
    %sign3A_21 = arith.extui %sign3A_20 : i1 to i32
    %sign3A_22 = arith.constant 0 : i32
    %sign3A_23 = arith.cmpi slt, %add3A, %sign3A_22 : i32
    %sign3A_24 = arith.extui %sign3A_23 : i1 to i32
    %sign3A_25 = arith.subi %sign3A_21, %sign3A_24 : i32
    %sign3A_26 = arith.constant 0 : i32
    %sign3A_27 = arith.cmpi sgt, %jit3A_17, %sign3A_26 : i32
    %sign3A_28 = arith.extui %sign3A_27 : i1 to i32
    %sign3A_29 = arith.constant 0 : i32
    %sign3A_30 = arith.cmpi slt, %jit3A_17, %sign3A_29 : i32
    %sign3A_31 = arith.extui %sign3A_30 : i1 to i32
    %sign3A_32 = arith.subi %sign3A_28, %sign3A_31 : i32
    %ne3A_33 = arith.cmpi ne, %sign3A_25, %sign3A_32 : i32
    %rem3A_34 = arith.remsi %add3A, %jit3A_17 : i32
    %ne3A_35 = arith.constant 0 : i32
    %ne3A_36 = arith.cmpi ne, %rem3A_34, %ne3A_35 : i32
    %and3A_37 = arith.andi %ne3A_33, %ne3A_36 : i1
    %sub3A_38 = arith.constant 1 : i32
    %sub3A_39 = arith.subi %div3A_18, %sub3A_38 : i32
    %select_n3A_40 = arith.select %and3A_37, %sub3A_39, %div3A_18 : i32
    %jit3A_41 = arith.constant 2 : i32
    %eq3A = arith.constant 0 : i32
    %eq3A_42 = arith.cmpi eq, %jit3A_41, %eq3A : i32
    %jit3A_43 = arith.constant 1 : i32
    %select_n3A_44 = arith.select %eq3A_42, %jit3A_43, %jit3A_41 : i32
    %rem3A_45 = arith.remsi %select_n3A_40, %select_n3A_44 : i32
    %ne3A_46 = arith.constant 0 : i32
    %ne3A_47 = arith.cmpi ne, %rem3A_45, %ne3A_46 : i32
    %lt3A = arith.constant 0 : i32
    %lt3A_48 = arith.cmpi slt, %rem3A_45, %lt3A : i32
    %lt3A_49 = arith.constant 0 : i32
    %lt3A_50 = arith.cmpi slt, %select_n3A_44, %lt3A_49 : i32
    %ne3A_51 = arith.xori %lt3A_48, %lt3A_50 : i1
    %and3A_52 = arith.andi %ne3A_51, %ne3A_47 : i1
    %add3A_53 = arith.addi %rem3A_45, %select_n3A_44 : i32
    %select_n3A_54 = arith.select %and3A_52, %add3A_53, %rem3A_45 : i32
    %jit3A_55 = arith.constant 4 : i32
    %eq3A_56 = arith.constant 0 : i32
    %eq3A_57 = arith.cmpi eq, %jit3A_55, %eq3A_56 : i32
    %jit3A_58 = arith.constant 1 : i32
    %select_n3A_59 = arith.select %eq3A_57, %jit3A_58, %jit3A_55 : i32
    %rem3A_60 = arith.remsi %add3A, %select_n3A_59 : i32
    %ne3A_61 = arith.constant 0 : i32
    %ne3A_62 = arith.cmpi ne, %rem3A_60, %ne3A_61 : i32
    %lt3A_63 = arith.constant 0 : i32
    %lt3A_64 = arith.cmpi slt, %rem3A_60, %lt3A_63 : i32
    %lt3A_65 = arith.constant 0 : i32
    %lt3A_66 = arith.cmpi slt, %select_n3A_59, %lt3A_65 : i32
    %ne3A_67 = arith.xori %lt3A_64, %lt3A_66 : i1
    %and3A_68 = arith.andi %ne3A_67, %ne3A_62 : i1
    %add3A_69 = arith.addi %rem3A_60, %select_n3A_59 : i32
    %select_n3A_70 = arith.select %and3A_68, %add3A_69, %rem3A_60 : i32
    %mul3A_71 = arith.constant 8 : i32
    %mul3A_72 = arith.muli %select_n3A_54, %mul3A_71 : i32
    %mul3A_73 = arith.constant 10240 : i32
    %mul3A_74 = arith.muli %select_n3A_70, %mul3A_73 : i32
    %add3A_75 = arith.constant 279040 : i32
    %add3A_76 = arith.addi %add3A_75, %mul3A_74 : i32
    %dma_start3A = tpu.memref_slice %arg2[%select_n3A, %mul3A_72, %add3A_76] : memref<4x16x320000xf32, #tpu.memory_space<hbm>> -> memref<1x8x2048xf32, #tpu.memory_space<hbm>>
    %dma_start3A_77 = tpu.memref_squeeze %dma_start3A : memref<1x8x2048xf32, #tpu.memory_space<hbm>> -> memref<8x2048xf32, #tpu.memory_space<hbm>>
    %dma_start3A_78 = tpu.memref_slice %arg2[%select_n3A, %mul3A_72, %add3A_76] : memref<4x16x320000xf32, #tpu.memory_space<hbm>> -> memref<1x8x2048xf32, #tpu.memory_space<hbm>>
    %dma_start3A_79 = tpu.memref_squeeze %dma_start3A_78 : memref<1x8x2048xf32, #tpu.memory_space<hbm>> -> memref<8x2048xf32, #tpu.memory_space<hbm>>
    tpu.enqueue_dma source(%dma_start3A_79 : memref<8x2048xf32, #tpu.memory_space<hbm>>) target(%arg4 : memref<8x2048xf32, #tpu.memory_space<vmem>>) target_semaphore(%arg7 : memref<!tpu.dma_semaphore, #tpu.memory_space<semaphore_mem>>)
    %add3A_80 = arith.constant 2048 : i32
    %add3A_81 = arith.addi %add3A_76, %add3A_80 : i32
    %dma_start3A_82 = tpu.memref_slice %arg2[%select_n3A, %mul3A_72, %add3A_81] : memref<4x16x320000xf32, #tpu.memory_space<hbm>> -> memref<1x8x2048xf32, #tpu.memory_space<hbm>>
    %dma_start3A_83 = tpu.memref_squeeze %dma_start3A_82 : memref<1x8x2048xf32, #tpu.memory_space<hbm>> -> memref<8x2048xf32, #tpu.memory_space<hbm>>
    %dma_start3A_84 = tpu.memref_slice %arg2[%select_n3A, %mul3A_72, %add3A_81] : memref<4x16x320000xf32, #tpu.memory_space<hbm>> -> memref<1x8x2048xf32, #tpu.memory_space<hbm>>
    %dma_start3A_85 = tpu.memref_squeeze %dma_start3A_84 : memref<1x8x2048xf32, #tpu.memory_space<hbm>> -> memref<8x2048xf32, #tpu.memory_space<hbm>>
    tpu.enqueue_dma source(%dma_start3A_85 : memref<8x2048xf32, #tpu.memory_space<hbm>>) target(%arg5 : memref<8x2048xf32, #tpu.memory_space<vmem>>) target_semaphore(%arg8 : memref<!tpu.dma_semaphore, #tpu.memory_space<semaphore_mem>>)
    %broadcast_in_dim3A = arith.constant 0.000000e+00 : f32
    %broadcast_in_dim3A_86 = vector.broadcast %broadcast_in_dim3A : f32 to vector<16xf32>
    %scan3A = arith.constant 0 : i32
    %scan3A_87 = arith.constant 2 : i32
    %scan3A_88 = arith.addi %scan3A, %scan3A_87 : i32
    %scan3A_89 = arith.constant 1 : i32
    %scan3A_90:8 = scf.for %scan3A_139 = %scan3A to %scan3A_88 step %scan3A_89 iter_args(%scan3A_140 = %broadcast_in_dim3A_86, %scan3A_141 = %broadcast_in_dim3A_86, %scan3A_142 = %broadcast_in_dim3A_86, %scan3A_143 = %broadcast_in_dim3A_86, %scan3A_144 = %broadcast_in_dim3A_86, %scan3A_145 = %broadcast_in_dim3A_86, %scan3A_146 = %broadcast_in_dim3A_86, %scan3A_147 = %broadcast_in_dim3A_86) -> (vector<16xf32>, vector<16xf32>, vector<16xf32>, vector<16xf32>, vector<16xf32>, vector<16xf32>, vector<16xf32>, vector<16xf32>)  : i32 {
      %mul3A_148 = arith.constant 2 : i32
      %mul3A_149 = arith.muli %mul3A_148, %scan3A_139 : i32
      %add3A_150 = arith.constant 0 : i32
      %add3A_151 = arith.addi %mul3A_149, %add3A_150 : i32
      %dma_wait3A = tpu.memref_slice %arg2[%select_n3A, %mul3A_72, %add3A_76] : memref<4x16x320000xf32, #tpu.memory_space<hbm>> -> memref<1x8x2048xf32, #tpu.memory_space<hbm>>
      %dma_wait3A_152 = tpu.memref_squeeze %dma_wait3A : memref<1x8x2048xf32, #tpu.memory_space<hbm>> -> memref<8x2048xf32, #tpu.memory_space<hbm>>
      %dma_wait3A_153 = tpu.memref_slice %arg2[%select_n3A, %mul3A_72, %add3A_76] : memref<4x16x320000xf32, #tpu.memory_space<hbm>> -> memref<1x8x2048xf32, #tpu.memory_space<hbm>>
      %dma_wait3A_154 = tpu.memref_squeeze %dma_wait3A_153 : memref<1x8x2048xf32, #tpu.memory_space<hbm>> -> memref<8x2048xf32, #tpu.memory_space<hbm>>
      tpu.wait_dma2 semaphore(%arg7 : memref<!tpu.dma_semaphore, #tpu.memory_space<semaphore_mem>>) src(%dma_wait3A_154 : memref<8x2048xf32, #tpu.memory_space<hbm>>) dst(%arg4 : memref<8x2048xf32, #tpu.memory_space<vmem>>)
      %scan3A_155 = arith.constant 0 : i32
      %scan3A_156 = arith.constant 32 : i32
      %scan3A_157 = arith.addi %scan3A_155, %scan3A_156 : i32
      %scan3A_158 = arith.constant 1 : i32
      %scan3A_159:8 = scf.for %scan3A_187 = %scan3A_155 to %scan3A_157 step %scan3A_158 iter_args(%scan3A_188 = %scan3A_140, %scan3A_189 = %scan3A_141, %scan3A_190 = %scan3A_142, %scan3A_191 = %scan3A_143, %scan3A_192 = %scan3A_144, %scan3A_193 = %scan3A_145, %scan3A_194 = %scan3A_146, %scan3A_195 = %scan3A_147) -> (vector<16xf32>, vector<16xf32>, vector<16xf32>, vector<16xf32>, vector<16xf32>, vector<16xf32>, vector<16xf32>, vector<16xf32>)  : i32 {
        %mul3A_196 = arith.constant 4 : i32
        %mul3A_197 = arith.muli %scan3A_187, %mul3A_196 : i32
        %add3A_198 = arith.constant 0 : i32
        %add3A_199 = arith.addi %mul3A_197, %add3A_198 : i32
        %mul3A_200 = arith.constant 16 : i32
        %mul3A_201 = arith.muli %add3A_199, %mul3A_200 : i32
        %get3A = arith.constant 0 : i32
        %get3A_202 = arith.index_cast %get3A : i32 to index
        %get3A_203 = arith.index_cast %mul3A_201 : i32 to index
        %get3A_204 = tpu.vector_load %arg4[%get3A_202, %get3A_203] {strides = array<i32>} : memref<8x2048xf32, #tpu.memory_space<vmem>>, vector<1x16xf32>,
        %get3A_205 = vector.shape_cast %get3A_204 : vector<1x16xf32> to vector<16xf32>
        %add3A_206 = arith.addf %scan3A_188, %get3A_205 : vector<16xf32>
        %get3A_207 = arith.constant 1 : i32
        %get3A_208 = arith.index_cast %get3A_207 : i32 to index
        %get3A_209 = arith.index_cast %mul3A_201 : i32 to index
        %get3A_210 = tpu.vector_load %arg4[%get3A_208, %get3A_209] {strides = array<i32>} : memref<8x2048xf32, #tpu.memory_space<vmem>>, vector<1x16xf32>,
        %get3A_211 = vector.shape_cast %get3A_210 : vector<1x16xf32> to vector<16xf32>
        %add3A_212 = arith.addf %scan3A_189, %get3A_211 : vector<16xf32>
        %get3A_213 = arith.constant 2 : i32
        %get3A_214 = arith.index_cast %get3A_213 : i32 to index
        %get3A_215 = arith.index_cast %mul3A_201 : i32 to index
        %get3A_216 = tpu.vector_load %arg4[%get3A_214, %get3A_215] {strides = array<i32>} : memref<8x2048xf32, #tpu.memory_space<vmem>>, vector<1x16xf32>,
        %get3A_217 = vector.shape_cast %get3A_216 : vector<1x16xf32> to vector<16xf32>
        %add3A_218 = arith.addf %scan3A_190, %get3A_217 : vector<16xf32>
        %get3A_219 = arith.constant 3 : i32
        %get3A_220 = arith.index_cast %get3A_219 : i32 to index
        %get3A_221 = arith.index_cast %mul3A_201 : i32 to index
        %get3A_222 = tpu.vector_load %arg4[%get3A_220, %get3A_221] {strides = array<i32>} : memref<8x2048xf32, #tpu.memory_space<vmem>>, vector<1x16xf32>,
        %get3A_223 = vector.shape_cast %get3A_222 : vector<1x16xf32> to vector<16xf32>
        %add3A_224 = arith.addf %scan3A_191, %get3A_223 : vector<16xf32>
        %get3A_225 = arith.constant 4 : i32
        %get3A_226 = arith.index_cast %get3A_225 : i32 to index
        %get3A_227 = arith.index_cast %mul3A_201 : i32 to index
        %get3A_228 = tpu.vector_load %arg4[%get3A_226, %get3A_227] {strides = array<i32>} : memref<8x2048xf32, #tpu.memory_space<vmem>>, vector<1x16xf32>,
        %get3A_229 = vector.shape_cast %get3A_228 : vector<1x16xf32> to vector<16xf32>
        %add3A_230 = arith.addf %scan3A_192, %get3A_229 : vector<16xf32>
        %get3A_231 = arith.constant 5 : i32
        %get3A_232 = arith.index_cast %get3A_231 : i32 to index
        %get3A_233 = arith.index_cast %mul3A_201 : i32 to index
        %get3A_234 = tpu.vector_load %arg4[%get3A_232, %get3A_233] {strides = array<i32>} : memref<8x2048xf32, #tpu.memory_space<vmem>>, vector<1x16xf32>,
        %get3A_235 = vector.shape_cast %get3A_234 : vector<1x16xf32> to vector<16xf32>
        %add3A_236 = arith.addf %scan3A_193, %get3A_235 : vector<16xf32>
        %get3A_237 = arith.constant 6 : i32
        %get3A_238 = arith.index_cast %get3A_237 : i32 to index
        %get3A_239 = arith.index_cast %mul3A_201 : i32 to index
        %get3A_240 = tpu.vector_load %arg4[%get3A_238, %get3A_239] {strides = array<i32>} : memref<8x2048xf32, #tpu.memory_space<vmem>>, vector<1x16xf32>,
        %get3A_241 = vector.shape_cast %get3A_240 : vector<1x16xf32> to vector<16xf32>
        %add3A_242 = arith.addf %scan3A_194, %get3A_241 : vector<16xf32>
        %get3A_243 = arith.constant 7 : i32
        %get3A_244 = arith.index_cast %get3A_243 : i32 to index
        %get3A_245 = arith.index_cast %mul3A_201 : i32 to index
        %get3A_246 = tpu.vector_load %arg4[%get3A_244, %get3A_245] {strides = array<i32>} : memref<8x2048xf32, #tpu.memory_space<vmem>>, vector<1x16xf32>,
        %get3A_247 = vector.shape_cast %get3A_246 : vector<1x16xf32> to vector<16xf32>
        %add3A_248 = arith.addf %scan3A_195, %get3A_247 : vector<16xf32>
        %mul3A_249 = arith.constant 4 : i32
        %mul3A_250 = arith.muli %scan3A_187, %mul3A_249 : i32
        %add3A_251 = arith.constant 1 : i32
        %add3A_252 = arith.addi %mul3A_250, %add3A_251 : i32
        %mul3A_253 = arith.constant 16 : i32
        %mul3A_254 = arith.muli %add3A_252, %mul3A_253 : i32
        %get3A_255 = arith.constant 0 : i32
        %get3A_256 = arith.index_cast %get3A_255 : i32 to index
        %get3A_257 = arith.index_cast %mul3A_254 : i32 to index
        %get3A_258 = tpu.vector_load %arg4[%get3A_256, %get3A_257] {strides = array<i32>} : memref<8x2048xf32, #tpu.memory_space<vmem>>, vector<1x16xf32>,
        %get3A_259 = vector.shape_cast %get3A_258 : vector<1x16xf32> to vector<16xf32>
        %add3A_260 = arith.addf %add3A_206, %get3A_259 : vector<16xf32>
        %get3A_261 = arith.constant 1 : i32
        %get3A_262 = arith.index_cast %get3A_261 : i32 to index
        %get3A_263 = arith.index_cast %mul3A_254 : i32 to index
        %get3A_264 = tpu.vector_load %arg4[%get3A_262, %get3A_263] {strides = array<i32>} : memref<8x2048xf32, #tpu.memory_space<vmem>>, vector<1x16xf32>,
        %get3A_265 = vector.shape_cast %get3A_264 : vector<1x16xf32> to vector<16xf32>
        %add3A_266 = arith.addf %add3A_212, %get3A_265 : vector<16xf32>
        %get3A_267 = arith.constant 2 : i32
        %get3A_268 = arith.index_cast %get3A_267 : i32 to index
        %get3A_269 = arith.index_cast %mul3A_254 : i32 to index
        %get3A_270 = tpu.vector_load %arg4[%get3A_268, %get3A_269] {strides = array<i32>} : memref<8x2048xf32, #tpu.memory_space<vmem>>, vector<1x16xf32>,
        %get3A_271 = vector.shape_cast %get3A_270 : vector<1x16xf32> to vector<16xf32>
        %add3A_272 = arith.addf %add3A_218, %get3A_271 : vector<16xf32>
        %get3A_273 = arith.constant 3 : i32
        %get3A_274 = arith.index_cast %get3A_273 : i32 to index
        %get3A_275 = arith.index_cast %mul3A_254 : i32 to index
        %get3A_276 = tpu.vector_load %arg4[%get3A_274, %get3A_275] {strides = array<i32>} : memref<8x2048xf32, #tpu.memory_space<vmem>>, vector<1x16xf32>,
        %get3A_277 = vector.shape_cast %get3A_276 : vector<1x16xf32> to vector<16xf32>
        %add3A_278 = arith.addf %add3A_224, %get3A_277 : vector<16xf32>
        %get3A_279 = arith.constant 4 : i32
        %get3A_280 = arith.index_cast %get3A_279 : i32 to index
        %get3A_281 = arith.index_cast %mul3A_254 : i32 to index
        %get3A_282 = tpu.vector_load %arg4[%get3A_280, %get3A_281] {strides = array<i32>} : memref<8x2048xf32, #tpu.memory_space<vmem>>, vector<1x16xf32>,
        %get3A_283 = vector.shape_cast %get3A_282 : vector<1x16xf32> to vector<16xf32>
        %add3A_284 = arith.addf %add3A_230, %get3A_283 : vector<16xf32>
        %get3A_285 = arith.constant 5 : i32
        %get3A_286 = arith.index_cast %get3A_285 : i32 to index
        %get3A_287 = arith.index_cast %mul3A_254 : i32 to index
        %get3A_288 = tpu.vector_load %arg4[%get3A_286, %get3A_287] {strides = array<i32>} : memref<8x2048xf32, #tpu.memory_space<vmem>>, vector<1x16xf32>,
        %get3A_289 = vector.shape_cast %get3A_288 : vector<1x16xf32> to vector<16xf32>
        %add3A_290 = arith.addf %add3A_236, %get3A_289 : vector<16xf32>
        %get3A_291 = arith.constant 6 : i32
        %get3A_292 = arith.index_cast %get3A_291 : i32 to index
        %get3A_293 = arith.index_cast %mul3A_254 : i32 to index
        %get3A_294 = tpu.vector_load %arg4[%get3A_292, %get3A_293] {strides = array<i32>} : memref<8x2048xf32, #tpu.memory_space<vmem>>, vector<1x16xf32>,
        %get3A_295 = vector.shape_cast %get3A_294 : vector<1x16xf32> to vector<16xf32>
        %add3A_296 = arith.addf %add3A_242, %get3A_295 : vector<16xf32>
        %get3A_297 = arith.constant 7 : i32
        %get3A_298 = arith.index_cast %get3A_297 : i32 to index
        %get3A_299 = arith.index_cast %mul3A_254 : i32 to index
        %get3A_300 = tpu.vector_load %arg4[%get3A_298, %get3A_299] {strides = array<i32>} : memref<8x2048xf32, #tpu.memory_space<vmem>>, vector<1x16xf32>,
        %get3A_301 = vector.shape_cast %get3A_300 : vector<1x16xf32> to vector<16xf32>
        %add3A_302 = arith.addf %add3A_248, %get3A_301 : vector<16xf32>
        %mul3A_303 = arith.constant 4 : i32
        %mul3A_304 = arith.muli %scan3A_187, %mul3A_303 : i32
        %add3A_305 = arith.constant 2 : i32
        %add3A_306 = arith.addi %mul3A_304, %add3A_305 : i32
        %mul3A_307 = arith.constant 16 : i32
        %mul3A_308 = arith.muli %add3A_306, %mul3A_307 : i32
        %get3A_309 = arith.constant 0 : i32
        %get3A_310 = arith.index_cast %get3A_309 : i32 to index
        %get3A_311 = arith.index_cast %mul3A_308 : i32 to index
        %get3A_312 = tpu.vector_load %arg4[%get3A_310, %get3A_311] {strides = array<i32>} : memref<8x2048xf32, #tpu.memory_space<vmem>>, vector<1x16xf32>,
        %get3A_313 = vector.shape_cast %get3A_312 : vector<1x16xf32> to vector<16xf32>
        %add3A_314 = arith.addf %add3A_260, %get3A_313 : vector<16xf32>
        %get3A_315 = arith.constant 1 : i32
        %get3A_316 = arith.index_cast %get3A_315 : i32 to index
        %get3A_317 = arith.index_cast %mul3A_308 : i32 to index
        %get3A_318 = tpu.vector_load %arg4[%get3A_316, %get3A_317] {strides = array<i32>} : memref<8x2048xf32, #tpu.memory_space<vmem>>, vector<1x16xf32>,
        %get3A_319 = vector.shape_cast %get3A_318 : vector<1x16xf32> to vector<16xf32>
        %add3A_320 = arith.addf %add3A_266, %get3A_319 : vector<16xf32>
        %get3A_321 = arith.constant 2 : i32
        %get3A_322 = arith.index_cast %get3A_321 : i32 to index
        %get3A_323 = arith.index_cast %mul3A_308 : i32 to index
        %get3A_324 = tpu.vector_load %arg4[%get3A_322, %get3A_323] {strides = array<i32>} : memref<8x2048xf32, #tpu.memory_space<vmem>>, vector<1x16xf32>,
        %get3A_325 = vector.shape_cast %get3A_324 : vector<1x16xf32> to vector<16xf32>
        %add3A_326 = arith.addf %add3A_272, %get3A_325 : vector<16xf32>
        %get3A_327 = arith.constant 3 : i32
        %get3A_328 = arith.index_cast %get3A_327 : i32 to index
        %get3A_329 = arith.index_cast %mul3A_308 : i32 to index
        %get3A_330 = tpu.vector_load %arg4[%get3A_328, %get3A_329] {strides = array<i32>} : memref<8x2048xf32, #tpu.memory_space<vmem>>, vector<1x16xf32>,
        %get3A_331 = vector.shape_cast %get3A_330 : vector<1x16xf32> to vector<16xf32>
        %add3A_332 = arith.addf %add3A_278, %get3A_331 : vector<16xf32>
        %get3A_333 = arith.constant 4 : i32
        %get3A_334 = arith.index_cast %get3A_333 : i32 to index
        %get3A_335 = arith.index_cast %mul3A_308 : i32 to index
        %get3A_336 = tpu.vector_load %arg4[%get3A_334, %get3A_335] {strides = array<i32>} : memref<8x2048xf32, #tpu.memory_space<vmem>>, vector<1x16xf32>,
        %get3A_337 = vector.shape_cast %get3A_336 : vector<1x16xf32> to vector<16xf32>
        %add3A_338 = arith.addf %add3A_284, %get3A_337 : vector<16xf32>
        %get3A_339 = arith.constant 5 : i32
        %get3A_340 = arith.index_cast %get3A_339 : i32 to index
        %get3A_341 = arith.index_cast %mul3A_308 : i32 to index
        %get3A_342 = tpu.vector_load %arg4[%get3A_340, %get3A_341] {strides = array<i32>} : memref<8x2048xf32, #tpu.memory_space<vmem>>, vector<1x16xf32>,
        %get3A_343 = vector.shape_cast %get3A_342 : vector<1x16xf32> to vector<16xf32>
        %add3A_344 = arith.addf %add3A_290, %get3A_343 : vector<16xf32>
        %get3A_345 = arith.constant 6 : i32
        %get3A_346 = arith.index_cast %get3A_345 : i32 to index
        %get3A_347 = arith.index_cast %mul3A_308 : i32 to index
        %get3A_348 = tpu.vector_load %arg4[%get3A_346, %get3A_347] {strides = array<i32>} : memref<8x2048xf32, #tpu.memory_space<vmem>>, vector<1x16xf32>,
        %get3A_349 = vector.shape_cast %get3A_348 : vector<1x16xf32> to vector<16xf32>
        %add3A_350 = arith.addf %add3A_296, %get3A_349 : vector<16xf32>
        %get3A_351 = arith.constant 7 : i32
        %get3A_352 = arith.index_cast %get3A_351 : i32 to index
        %get3A_353 = arith.index_cast %mul3A_308 : i32 to index
        %get3A_354 = tpu.vector_load %arg4[%get3A_352, %get3A_353] {strides = array<i32>} : memref<8x2048xf32, #tpu.memory_space<vmem>>, vector<1x16xf32>,
        %get3A_355 = vector.shape_cast %get3A_354 : vector<1x16xf32> to vector<16xf32>
        %add3A_356 = arith.addf %add3A_302, %get3A_355 : vector<16xf32>
        %mul3A_357 = arith.constant 4 : i32
        %mul3A_358 = arith.muli %scan3A_187, %mul3A_357 : i32
        %add3A_359 = arith.constant 3 : i32
        %add3A_360 = arith.addi %mul3A_358, %add3A_359 : i32
        %mul3A_361 = arith.constant 16 : i32
        %mul3A_362 = arith.muli %add3A_360, %mul3A_361 : i32
        %get3A_363 = arith.constant 0 : i32
        %get3A_364 = arith.index_cast %get3A_363 : i32 to index
        %get3A_365 = arith.index_cast %mul3A_362 : i32 to index
        %get3A_366 = tpu.vector_load %arg4[%get3A_364, %get3A_365] {strides = array<i32>} : memref<8x2048xf32, #tpu.memory_space<vmem>>, vector<1x16xf32>,
        %get3A_367 = vector.shape_cast %get3A_366 : vector<1x16xf32> to vector<16xf32>
        %add3A_368 = arith.addf %add3A_314, %get3A_367 : vector<16xf32>
        %get3A_369 = arith.constant 1 : i32
        %get3A_370 = arith.index_cast %get3A_369 : i32 to index
        %get3A_371 = arith.index_cast %mul3A_362 : i32 to index
        %get3A_372 = tpu.vector_load %arg4[%get3A_370, %get3A_371] {strides = array<i32>} : memref<8x2048xf32, #tpu.memory_space<vmem>>, vector<1x16xf32>,
        %get3A_373 = vector.shape_cast %get3A_372 : vector<1x16xf32> to vector<16xf32>
        %add3A_374 = arith.addf %add3A_320, %get3A_373 : vector<16xf32>
        %get3A_375 = arith.constant 2 : i32
        %get3A_376 = arith.index_cast %get3A_375 : i32 to index
        %get3A_377 = arith.index_cast %mul3A_362 : i32 to index
        %get3A_378 = tpu.vector_load %arg4[%get3A_376, %get3A_377] {strides = array<i32>} : memref<8x2048xf32, #tpu.memory_space<vmem>>, vector<1x16xf32>,
        %get3A_379 = vector.shape_cast %get3A_378 : vector<1x16xf32> to vector<16xf32>
        %add3A_380 = arith.addf %add3A_326, %get3A_379 : vector<16xf32>
        %get3A_381 = arith.constant 3 : i32
        %get3A_382 = arith.index_cast %get3A_381 : i32 to index
        %get3A_383 = arith.index_cast %mul3A_362 : i32 to index
        %get3A_384 = tpu.vector_load %arg4[%get3A_382, %get3A_383] {strides = array<i32>} : memref<8x2048xf32, #tpu.memory_space<vmem>>, vector<1x16xf32>,
        %get3A_385 = vector.shape_cast %get3A_384 : vector<1x16xf32> to vector<16xf32>
        %add3A_386 = arith.addf %add3A_332, %get3A_385 : vector<16xf32>
        %get3A_387 = arith.constant 4 : i32
        %get3A_388 = arith.index_cast %get3A_387 : i32 to index
        %get3A_389 = arith.index_cast %mul3A_362 : i32 to index
        %get3A_390 = tpu.vector_load %arg4[%get3A_388, %get3A_389] {strides = array<i32>} : memref<8x2048xf32, #tpu.memory_space<vmem>>, vector<1x16xf32>,
        %get3A_391 = vector.shape_cast %get3A_390 : vector<1x16xf32> to vector<16xf32>
        %add3A_392 = arith.addf %add3A_338, %get3A_391 : vector<16xf32>
        %get3A_393 = arith.constant 5 : i32
        %get3A_394 = arith.index_cast %get3A_393 : i32 to index
        %get3A_395 = arith.index_cast %mul3A_362 : i32 to index
        %get3A_396 = tpu.vector_load %arg4[%get3A_394, %get3A_395] {strides = array<i32>} : memref<8x2048xf32, #tpu.memory_space<vmem>>, vector<1x16xf32>,
        %get3A_397 = vector.shape_cast %get3A_396 : vector<1x16xf32> to vector<16xf32>
        %add3A_398 = arith.addf %add3A_344, %get3A_397 : vector<16xf32>
        %get3A_399 = arith.constant 6 : i32
        %get3A_400 = arith.index_cast %get3A_399 : i32 to index
        %get3A_401 = arith.index_cast %mul3A_362 : i32 to index
        %get3A_402 = tpu.vector_load %arg4[%get3A_400, %get3A_401] {strides = array<i32>} : memref<8x2048xf32, #tpu.memory_space<vmem>>, vector<1x16xf32>,
        %get3A_403 = vector.shape_cast %get3A_402 : vector<1x16xf32> to vector<16xf32>
        %add3A_404 = arith.addf %add3A_350, %get3A_403 : vector<16xf32>
        %get3A_405 = arith.constant 7 : i32
        %get3A_406 = arith.index_cast %get3A_405 : i32 to index
        %get3A_407 = arith.index_cast %mul3A_362 : i32 to index
        %get3A_408 = tpu.vector_load %arg4[%get3A_406, %get3A_407] {strides = array<i32>} : memref<8x2048xf32, #tpu.memory_space<vmem>>, vector<1x16xf32>,
        %get3A_409 = vector.shape_cast %get3A_408 : vector<1x16xf32> to vector<16xf32>
        %add3A_410 = arith.addf %add3A_356, %get3A_409 : vector<16xf32>
        scf.yield %add3A_368, %add3A_374, %add3A_380, %add3A_386, %add3A_392, %add3A_398, %add3A_404, %add3A_410 : vector<16xf32>, vector<16xf32>, vector<16xf32>, vector<16xf32>, vector<16xf32>, vector<16xf32>, vector<16xf32>, vector<16xf32>
      }
      %scan3A_160 = arith.constant 32 : i32
      %add3A_161 = arith.constant 2 : i32
      %add3A_162 = arith.addi %add3A_151, %add3A_161 : i32
      %lt3A_163 = arith.constant 5 : i32
      %lt3A_164 = arith.cmpi slt, %add3A_162, %lt3A_163 : i32
      %convert_element_type3A = arith.extui %lt3A_164 : i1 to i32
      %cond3A = arith.constant 0 : i32
      %cond3A_165 = arith.cmpi ne, %convert_element_type3A, %cond3A : i32
      scf.if %cond3A_165 {
        %add3A_187 = arith.constant 2 : i32
        %add3A_188 = arith.addi %add3A_151, %add3A_187 : i32
        %mul3A_189 = arith.constant 2048 : i32
        %mul3A_190 = arith.muli %add3A_188, %mul3A_189 : i32
        %add3A_191 = arith.addi %add3A_76, %mul3A_190 : i32
        %dma_start3A_192 = tpu.memref_slice %arg2[%select_n3A, %mul3A_72, %add3A_191] : memref<4x16x320000xf32, #tpu.memory_space<hbm>> -> memref<1x8x2048xf32, #tpu.memory_space<hbm>>
        %dma_start3A_193 = tpu.memref_squeeze %dma_start3A_192 : memref<1x8x2048xf32, #tpu.memory_space<hbm>> -> memref<8x2048xf32, #tpu.memory_space<hbm>>
        %dma_start3A_194 = tpu.memref_slice %arg2[%select_n3A, %mul3A_72, %add3A_191] : memref<4x16x320000xf32, #tpu.memory_space<hbm>> -> memref<1x8x2048xf32, #tpu.memory_space<hbm>>
        %dma_start3A_195 = tpu.memref_squeeze %dma_start3A_194 : memref<1x8x2048xf32, #tpu.memory_space<hbm>> -> memref<8x2048xf32, #tpu.memory_space<hbm>>
        tpu.enqueue_dma source(%dma_start3A_195 : memref<8x2048xf32, #tpu.memory_space<hbm>>) target(%arg4 : memref<8x2048xf32, #tpu.memory_space<vmem>>) target_semaphore(%arg7 : memref<!tpu.dma_semaphore, #tpu.memory_space<semaphore_mem>>)
      } else {
      }
      %mul3A_166 = arith.constant 2 : i32
      %mul3A_167 = arith.muli %mul3A_166, %scan3A_139 : i32
      %add3A_168 = arith.constant 1 : i32
      %add3A_169 = arith.addi %mul3A_167, %add3A_168 : i32
      %dma_wait3A_170 = tpu.memref_slice %arg2[%select_n3A, %mul3A_72, %add3A_76] : memref<4x16x320000xf32, #tpu.memory_space<hbm>> -> memref<1x8x2048xf32, #tpu.memory_space<hbm>>
      %dma_wait3A_171 = tpu.memref_squeeze %dma_wait3A_170 : memref<1x8x2048xf32, #tpu.memory_space<hbm>> -> memref<8x2048xf32, #tpu.memory_space<hbm>>
      %dma_wait3A_172 = tpu.memref_slice %arg2[%select_n3A, %mul3A_72, %add3A_76] : memref<4x16x320000xf32, #tpu.memory_space<hbm>> -> memref<1x8x2048xf32, #tpu.memory_space<hbm>>
      %dma_wait3A_173 = tpu.memref_squeeze %dma_wait3A_172 : memref<1x8x2048xf32, #tpu.memory_space<hbm>> -> memref<8x2048xf32, #tpu.memory_space<hbm>>
      tpu.wait_dma2 semaphore(%arg8 : memref<!tpu.dma_semaphore, #tpu.memory_space<semaphore_mem>>) src(%dma_wait3A_173 : memref<8x2048xf32, #tpu.memory_space<hbm>>) dst(%arg5 : memref<8x2048xf32, #tpu.memory_space<vmem>>)
      %scan3A_174 = arith.constant 0 : i32
      %scan3A_175 = arith.constant 32 : i32
      %scan3A_176 = arith.addi %scan3A_174, %scan3A_175 : i32
      %scan3A_177 = arith.constant 1 : i32
      %scan3A_178:8 = scf.for %scan3A_187 = %scan3A_174 to %scan3A_176 step %scan3A_177 iter_args(%scan3A_188 = %scan3A_159#0, %scan3A_189 = %scan3A_159#1, %scan3A_190 = %scan3A_159#2, %scan3A_191 = %scan3A_159#3, %scan3A_192 = %scan3A_159#4, %scan3A_193 = %scan3A_159#5, %scan3A_194 = %scan3A_159#6, %scan3A_195 = %scan3A_159#7) -> (vector<16xf32>, vector<16xf32>, vector<16xf32>, vector<16xf32>, vector<16xf32>, vector<16xf32>, vector<16xf32>, vector<16xf32>)  : i32 {
        %mul3A_196 = arith.constant 4 : i32
        %mul3A_197 = arith.muli %scan3A_187, %mul3A_196 : i32
        %add3A_198 = arith.constant 0 : i32
        %add3A_199 = arith.addi %mul3A_197, %add3A_198 : i32
        %mul3A_200 = arith.constant 16 : i32
        %mul3A_201 = arith.muli %add3A_199, %mul3A_200 : i32
        %get3A = arith.constant 0 : i32
        %get3A_202 = arith.index_cast %get3A : i32 to index
        %get3A_203 = arith.index_cast %mul3A_201 : i32 to index
        %get3A_204 = tpu.vector_load %arg5[%get3A_202, %get3A_203] {strides = array<i32>} : memref<8x2048xf32, #tpu.memory_space<vmem>>, vector<1x16xf32>,
        %get3A_205 = vector.shape_cast %get3A_204 : vector<1x16xf32> to vector<16xf32>
        %add3A_206 = arith.addf %scan3A_188, %get3A_205 : vector<16xf32>
        %get3A_207 = arith.constant 1 : i32
        %get3A_208 = arith.index_cast %get3A_207 : i32 to index
        %get3A_209 = arith.index_cast %mul3A_201 : i32 to index
        %get3A_210 = tpu.vector_load %arg5[%get3A_208, %get3A_209] {strides = array<i32>} : memref<8x2048xf32, #tpu.memory_space<vmem>>, vector<1x16xf32>,
        %get3A_211 = vector.shape_cast %get3A_210 : vector<1x16xf32> to vector<16xf32>
        %add3A_212 = arith.addf %scan3A_189, %get3A_211 : vector<16xf32>
        %get3A_213 = arith.constant 2 : i32
        %get3A_214 = arith.index_cast %get3A_213 : i32 to index
        %get3A_215 = arith.index_cast %mul3A_201 : i32 to index
        %get3A_216 = tpu.vector_load %arg5[%get3A_214, %get3A_215] {strides = array<i32>} : memref<8x2048xf32, #tpu.memory_space<vmem>>, vector<1x16xf32>,
        %get3A_217 = vector.shape_cast %get3A_216 : vector<1x16xf32> to vector<16xf32>
        %add3A_218 = arith.addf %scan3A_190, %get3A_217 : vector<16xf32>
        %get3A_219 = arith.constant 3 : i32
        %get3A_220 = arith.index_cast %get3A_219 : i32 to index
        %get3A_221 = arith.index_cast %mul3A_201 : i32 to index
        %get3A_222 = tpu.vector_load %arg5[%get3A_220, %get3A_221] {strides = array<i32>} : memref<8x2048xf32, #tpu.memory_space<vmem>>, vector<1x16xf32>,
        %get3A_223 = vector.shape_cast %get3A_222 : vector<1x16xf32> to vector<16xf32>
        %add3A_224 = arith.addf %scan3A_191, %get3A_223 : vector<16xf32>
        %get3A_225 = arith.constant 4 : i32
        %get3A_226 = arith.index_cast %get3A_225 : i32 to index
        %get3A_227 = arith.index_cast %mul3A_201 : i32 to index
        %get3A_228 = tpu.vector_load %arg5[%get3A_226, %get3A_227] {strides = array<i32>} : memref<8x2048xf32, #tpu.memory_space<vmem>>, vector<1x16xf32>,
        %get3A_229 = vector.shape_cast %get3A_228 : vector<1x16xf32> to vector<16xf32>
        %add3A_230 = arith.addf %scan3A_192, %get3A_229 : vector<16xf32>
        %get3A_231 = arith.constant 5 : i32
        %get3A_232 = arith.index_cast %get3A_231 : i32 to index
        %get3A_233 = arith.index_cast %mul3A_201 : i32 to index
        %get3A_234 = tpu.vector_load %arg5[%get3A_232, %get3A_233] {strides = array<i32>} : memref<8x2048xf32, #tpu.memory_space<vmem>>, vector<1x16xf32>,
        %get3A_235 = vector.shape_cast %get3A_234 : vector<1x16xf32> to vector<16xf32>
        %add3A_236 = arith.addf %scan3A_193, %get3A_235 : vector<16xf32>
        %get3A_237 = arith.constant 6 : i32
        %get3A_238 = arith.index_cast %get3A_237 : i32 to index
        %get3A_239 = arith.index_cast %mul3A_201 : i32 to index
        %get3A_240 = tpu.vector_load %arg5[%get3A_238, %get3A_239] {strides = array<i32>} : memref<8x2048xf32, #tpu.memory_space<vmem>>, vector<1x16xf32>,
        %get3A_241 = vector.shape_cast %get3A_240 : vector<1x16xf32> to vector<16xf32>
        %add3A_242 = arith.addf %scan3A_194, %get3A_241 : vector<16xf32>
        %get3A_243 = arith.constant 7 : i32
        %get3A_244 = arith.index_cast %get3A_243 : i32 to index
        %get3A_245 = arith.index_cast %mul3A_201 : i32 to index
        %get3A_246 = tpu.vector_load %arg5[%get3A_244, %get3A_245] {strides = array<i32>} : memref<8x2048xf32, #tpu.memory_space<vmem>>, vector<1x16xf32>,
        %get3A_247 = vector.shape_cast %get3A_246 : vector<1x16xf32> to vector<16xf32>
        %add3A_248 = arith.addf %scan3A_195, %get3A_247 : vector<16xf32>
        %mul3A_249 = arith.constant 4 : i32
        %mul3A_250 = arith.muli %scan3A_187, %mul3A_249 : i32
        %add3A_251 = arith.constant 1 : i32
        %add3A_252 = arith.addi %mul3A_250, %add3A_251 : i32
        %mul3A_253 = arith.constant 16 : i32
        %mul3A_254 = arith.muli %add3A_252, %mul3A_253 : i32
        %get3A_255 = arith.constant 0 : i32
        %get3A_256 = arith.index_cast %get3A_255 : i32 to index
        %get3A_257 = arith.index_cast %mul3A_254 : i32 to index
        %get3A_258 = tpu.vector_load %arg5[%get3A_256, %get3A_257] {strides = array<i32>} : memref<8x2048xf32, #tpu.memory_space<vmem>>, vector<1x16xf32>,
        %get3A_259 = vector.shape_cast %get3A_258 : vector<1x16xf32> to vector<16xf32>
        %add3A_260 = arith.addf %add3A_206, %get3A_259 : vector<16xf32>
        %get3A_261 = arith.constant 1 : i32
        %get3A_262 = arith.index_cast %get3A_261 : i32 to index
        %get3A_263 = arith.index_cast %mul3A_254 : i32 to index
        %get3A_264 = tpu.vector_load %arg5[%get3A_262, %get3A_263] {strides = array<i32>} : memref<8x2048xf32, #tpu.memory_space<vmem>>, vector<1x16xf32>,
        %get3A_265 = vector.shape_cast %get3A_264 : vector<1x16xf32> to vector<16xf32>
        %add3A_266 = arith.addf %add3A_212, %get3A_265 : vector<16xf32>
        %get3A_267 = arith.constant 2 : i32
        %get3A_268 = arith.index_cast %get3A_267 : i32 to index
        %get3A_269 = arith.index_cast %mul3A_254 : i32 to index
        %get3A_270 = tpu.vector_load %arg5[%get3A_268, %get3A_269] {strides = array<i32>} : memref<8x2048xf32, #tpu.memory_space<vmem>>, vector<1x16xf32>,
        %get3A_271 = vector.shape_cast %get3A_270 : vector<1x16xf32> to vector<16xf32>
        %add3A_272 = arith.addf %add3A_218, %get3A_271 : vector<16xf32>
        %get3A_273 = arith.constant 3 : i32
        %get3A_274 = arith.index_cast %get3A_273 : i32 to index
        %get3A_275 = arith.index_cast %mul3A_254 : i32 to index
        %get3A_276 = tpu.vector_load %arg5[%get3A_274, %get3A_275] {strides = array<i32>} : memref<8x2048xf32, #tpu.memory_space<vmem>>, vector<1x16xf32>,
        %get3A_277 = vector.shape_cast %get3A_276 : vector<1x16xf32> to vector<16xf32>
        %add3A_278 = arith.addf %add3A_224, %get3A_277 : vector<16xf32>
        %get3A_279 = arith.constant 4 : i32
        %get3A_280 = arith.index_cast %get3A_279 : i32 to index
        %get3A_281 = arith.index_cast %mul3A_254 : i32 to index
        %get3A_282 = tpu.vector_load %arg5[%get3A_280, %get3A_281] {strides = array<i32>} : memref<8x2048xf32, #tpu.memory_space<vmem>>, vector<1x16xf32>,
        %get3A_283 = vector.shape_cast %get3A_282 : vector<1x16xf32> to vector<16xf32>
        %add3A_284 = arith.addf %add3A_230, %get3A_283 : vector<16xf32>
        %get3A_285 = arith.constant 5 : i32
        %get3A_286 = arith.index_cast %get3A_285 : i32 to index
        %get3A_287 = arith.index_cast %mul3A_254 : i32 to index
        %get3A_288 = tpu.vector_load %arg5[%get3A_286, %get3A_287] {strides = array<i32>} : memref<8x2048xf32, #tpu.memory_space<vmem>>, vector<1x16xf32>,
        %get3A_289 = vector.shape_cast %get3A_288 : vector<1x16xf32> to vector<16xf32>
        %add3A_290 = arith.addf %add3A_236, %get3A_289 : vector<16xf32>
        %get3A_291 = arith.constant 6 : i32
        %get3A_292 = arith.index_cast %get3A_291 : i32 to index
        %get3A_293 = arith.index_cast %mul3A_254 : i32 to index
        %get3A_294 = tpu.vector_load %arg5[%get3A_292, %get3A_293] {strides = array<i32>} : memref<8x2048xf32, #tpu.memory_space<vmem>>, vector<1x16xf32>,
        %get3A_295 = vector.shape_cast %get3A_294 : vector<1x16xf32> to vector<16xf32>
        %add3A_296 = arith.addf %add3A_242, %get3A_295 : vector<16xf32>
        %get3A_297 = arith.constant 7 : i32
        %get3A_298 = arith.index_cast %get3A_297 : i32 to index
        %get3A_299 = arith.index_cast %mul3A_254 : i32 to index
        %get3A_300 = tpu.vector_load %arg5[%get3A_298, %get3A_299] {strides = array<i32>} : memref<8x2048xf32, #tpu.memory_space<vmem>>, vector<1x16xf32>,
        %get3A_301 = vector.shape_cast %get3A_300 : vector<1x16xf32> to vector<16xf32>
        %add3A_302 = arith.addf %add3A_248, %get3A_301 : vector<16xf32>
        %mul3A_303 = arith.constant 4 : i32
        %mul3A_304 = arith.muli %scan3A_187, %mul3A_303 : i32
        %add3A_305 = arith.constant 2 : i32
        %add3A_306 = arith.addi %mul3A_304, %add3A_305 : i32
        %mul3A_307 = arith.constant 16 : i32
        %mul3A_308 = arith.muli %add3A_306, %mul3A_307 : i32
        %get3A_309 = arith.constant 0 : i32
        %get3A_310 = arith.index_cast %get3A_309 : i32 to index
        %get3A_311 = arith.index_cast %mul3A_308 : i32 to index
        %get3A_312 = tpu.vector_load %arg5[%get3A_310, %get3A_311] {strides = array<i32>} : memref<8x2048xf32, #tpu.memory_space<vmem>>, vector<1x16xf32>,
        %get3A_313 = vector.shape_cast %get3A_312 : vector<1x16xf32> to vector<16xf32>
        %add3A_314 = arith.addf %add3A_260, %get3A_313 : vector<16xf32>
        %get3A_315 = arith.constant 1 : i32
        %get3A_316 = arith.index_cast %get3A_315 : i32 to index
        %get3A_317 = arith.index_cast %mul3A_308 : i32 to index
        %get3A_318 = tpu.vector_load %arg5[%get3A_316, %get3A_317] {strides = array<i32>} : memref<8x2048xf32, #tpu.memory_space<vmem>>, vector<1x16xf32>,
        %get3A_319 = vector.shape_cast %get3A_318 : vector<1x16xf32> to vector<16xf32>
        %add3A_320 = arith.addf %add3A_266, %get3A_319 : vector<16xf32>
        %get3A_321 = arith.constant 2 : i32
        %get3A_322 = arith.index_cast %get3A_321 : i32 to index
        %get3A_323 = arith.index_cast %mul3A_308 : i32 to index
        %get3A_324 = tpu.vector_load %arg5[%get3A_322, %get3A_323] {strides = array<i32>} : memref<8x2048xf32, #tpu.memory_space<vmem>>, vector<1x16xf32>,
        %get3A_325 = vector.shape_cast %get3A_324 : vector<1x16xf32> to vector<16xf32>
        %add3A_326 = arith.addf %add3A_272, %get3A_325 : vector<16xf32>
        %get3A_327 = arith.constant 3 : i32
        %get3A_328 = arith.index_cast %get3A_327 : i32 to index
        %get3A_329 = arith.index_cast %mul3A_308 : i32 to index
        %get3A_330 = tpu.vector_load %arg5[%get3A_328, %get3A_329] {strides = array<i32>} : memref<8x2048xf32, #tpu.memory_space<vmem>>, vector<1x16xf32>,
        %get3A_331 = vector.shape_cast %get3A_330 : vector<1x16xf32> to vector<16xf32>
        %add3A_332 = arith.addf %add3A_278, %get3A_331 : vector<16xf32>
        %get3A_333 = arith.constant 4 : i32
        %get3A_334 = arith.index_cast %get3A_333 : i32 to index
        %get3A_335 = arith.index_cast %mul3A_308 : i32 to index
        %get3A_336 = tpu.vector_load %arg5[%get3A_334, %get3A_335] {strides = array<i32>} : memref<8x2048xf32, #tpu.memory_space<vmem>>, vector<1x16xf32>,
        %get3A_337 = vector.shape_cast %get3A_336 : vector<1x16xf32> to vector<16xf32>
        %add3A_338 = arith.addf %add3A_284, %get3A_337 : vector<16xf32>
        %get3A_339 = arith.constant 5 : i32
        %get3A_340 = arith.index_cast %get3A_339 : i32 to index
        %get3A_341 = arith.index_cast %mul3A_308 : i32 to index
        %get3A_342 = tpu.vector_load %arg5[%get3A_340, %get3A_341] {strides = array<i32>} : memref<8x2048xf32, #tpu.memory_space<vmem>>, vector<1x16xf32>,
        %get3A_343 = vector.shape_cast %get3A_342 : vector<1x16xf32> to vector<16xf32>
        %add3A_344 = arith.addf %add3A_290, %get3A_343 : vector<16xf32>
        %get3A_345 = arith.constant 6 : i32
        %get3A_346 = arith.index_cast %get3A_345 : i32 to index
        %get3A_347 = arith.index_cast %mul3A_308 : i32 to index
        %get3A_348 = tpu.vector_load %arg5[%get3A_346, %get3A_347] {strides = array<i32>} : memref<8x2048xf32, #tpu.memory_space<vmem>>, vector<1x16xf32>,
        %get3A_349 = vector.shape_cast %get3A_348 : vector<1x16xf32> to vector<16xf32>
        %add3A_350 = arith.addf %add3A_296, %get3A_349 : vector<16xf32>
        %get3A_351 = arith.constant 7 : i32
        %get3A_352 = arith.index_cast %get3A_351 : i32 to index
        %get3A_353 = arith.index_cast %mul3A_308 : i32 to index
        %get3A_354 = tpu.vector_load %arg5[%get3A_352, %get3A_353] {strides = array<i32>} : memref<8x2048xf32, #tpu.memory_space<vmem>>, vector<1x16xf32>,
        %get3A_355 = vector.shape_cast %get3A_354 : vector<1x16xf32> to vector<16xf32>
        %add3A_356 = arith.addf %add3A_302, %get3A_355 : vector<16xf32>
        %mul3A_357 = arith.constant 4 : i32
        %mul3A_358 = arith.muli %scan3A_187, %mul3A_357 : i32
        %add3A_359 = arith.constant 3 : i32
        %add3A_360 = arith.addi %mul3A_358, %add3A_359 : i32
        %mul3A_361 = arith.constant 16 : i32
        %mul3A_362 = arith.muli %add3A_360, %mul3A_361 : i32
        %get3A_363 = arith.constant 0 : i32
        %get3A_364 = arith.index_cast %get3A_363 : i32 to index
        %get3A_365 = arith.index_cast %mul3A_362 : i32 to index
        %get3A_366 = tpu.vector_load %arg5[%get3A_364, %get3A_365] {strides = array<i32>} : memref<8x2048xf32, #tpu.memory_space<vmem>>, vector<1x16xf32>,
        %get3A_367 = vector.shape_cast %get3A_366 : vector<1x16xf32> to vector<16xf32>
        %add3A_368 = arith.addf %add3A_314, %get3A_367 : vector<16xf32>
        %get3A_369 = arith.constant 1 : i32
        %get3A_370 = arith.index_cast %get3A_369 : i32 to index
        %get3A_371 = arith.index_cast %mul3A_362 : i32 to index
        %get3A_372 = tpu.vector_load %arg5[%get3A_370, %get3A_371] {strides = array<i32>} : memref<8x2048xf32, #tpu.memory_space<vmem>>, vector<1x16xf32>,
        %get3A_373 = vector.shape_cast %get3A_372 : vector<1x16xf32> to vector<16xf32>
        %add3A_374 = arith.addf %add3A_320, %get3A_373 : vector<16xf32>
        %get3A_375 = arith.constant 2 : i32
        %get3A_376 = arith.index_cast %get3A_375 : i32 to index
        %get3A_377 = arith.index_cast %mul3A_362 : i32 to index
        %get3A_378 = tpu.vector_load %arg5[%get3A_376, %get3A_377] {strides = array<i32>} : memref<8x2048xf32, #tpu.memory_space<vmem>>, vector<1x16xf32>,
        %get3A_379 = vector.shape_cast %get3A_378 : vector<1x16xf32> to vector<16xf32>
        %add3A_380 = arith.addf %add3A_326, %get3A_379 : vector<16xf32>
        %get3A_381 = arith.constant 3 : i32
        %get3A_382 = arith.index_cast %get3A_381 : i32 to index
        %get3A_383 = arith.index_cast %mul3A_362 : i32 to index
        %get3A_384 = tpu.vector_load %arg5[%get3A_382, %get3A_383] {strides = array<i32>} : memref<8x2048xf32, #tpu.memory_space<vmem>>, vector<1x16xf32>,
        %get3A_385 = vector.shape_cast %get3A_384 : vector<1x16xf32> to vector<16xf32>
        %add3A_386 = arith.addf %add3A_332, %get3A_385 : vector<16xf32>
        %get3A_387 = arith.constant 4 : i32
        %get3A_388 = arith.index_cast %get3A_387 : i32 to index
        %get3A_389 = arith.index_cast %mul3A_362 : i32 to index
        %get3A_390 = tpu.vector_load %arg5[%get3A_388, %get3A_389] {strides = array<i32>} : memref<8x2048xf32, #tpu.memory_space<vmem>>, vector<1x16xf32>,
        %get3A_391 = vector.shape_cast %get3A_390 : vector<1x16xf32> to vector<16xf32>
        %add3A_392 = arith.addf %add3A_338, %get3A_391 : vector<16xf32>
        %get3A_393 = arith.constant 5 : i32
        %get3A_394 = arith.index_cast %get3A_393 : i32 to index
        %get3A_395 = arith.index_cast %mul3A_362 : i32 to index
        %get3A_396 = tpu.vector_load %arg5[%get3A_394, %get3A_395] {strides = array<i32>} : memref<8x2048xf32, #tpu.memory_space<vmem>>, vector<1x16xf32>,
        %get3A_397 = vector.shape_cast %get3A_396 : vector<1x16xf32> to vector<16xf32>
        %add3A_398 = arith.addf %add3A_344, %get3A_397 : vector<16xf32>
        %get3A_399 = arith.constant 6 : i32
        %get3A_400 = arith.index_cast %get3A_399 : i32 to index
        %get3A_401 = arith.index_cast %mul3A_362 : i32 to index
        %get3A_402 = tpu.vector_load %arg5[%get3A_400, %get3A_401] {strides = array<i32>} : memref<8x2048xf32, #tpu.memory_space<vmem>>, vector<1x16xf32>,
        %get3A_403 = vector.shape_cast %get3A_402 : vector<1x16xf32> to vector<16xf32>
        %add3A_404 = arith.addf %add3A_350, %get3A_403 : vector<16xf32>
        %get3A_405 = arith.constant 7 : i32
        %get3A_406 = arith.index_cast %get3A_405 : i32 to index
        %get3A_407 = arith.index_cast %mul3A_362 : i32 to index
        %get3A_408 = tpu.vector_load %arg5[%get3A_406, %get3A_407] {strides = array<i32>} : memref<8x2048xf32, #tpu.memory_space<vmem>>, vector<1x16xf32>,
        %get3A_409 = vector.shape_cast %get3A_408 : vector<1x16xf32> to vector<16xf32>
        %add3A_410 = arith.addf %add3A_356, %get3A_409 : vector<16xf32>
        scf.yield %add3A_368, %add3A_374, %add3A_380, %add3A_386, %add3A_392, %add3A_398, %add3A_404, %add3A_410 : vector<16xf32>, vector<16xf32>, vector<16xf32>, vector<16xf32>, vector<16xf32>, vector<16xf32>, vector<16xf32>, vector<16xf32>
      }
      %scan3A_179 = arith.constant 32 : i32
      %add3A_180 = arith.constant 2 : i32
      %add3A_181 = arith.addi %add3A_169, %add3A_180 : i32
      %lt3A_182 = arith.constant 5 : i32
      %lt3A_183 = arith.cmpi slt, %add3A_181, %lt3A_182 : i32
      %convert_element_type3A_184 = arith.extui %lt3A_183 : i1 to i32
      %cond3A_185 = arith.constant 0 : i32
      %cond3A_186 = arith.cmpi ne, %convert_element_type3A_184, %cond3A_185 : i32
      scf.if %cond3A_186 {
        %add3A_187 = arith.constant 2 : i32
        %add3A_188 = arith.addi %add3A_169, %add3A_187 : i32
        %mul3A_189 = arith.constant 2048 : i32
        %mul3A_190 = arith.muli %add3A_188, %mul3A_189 : i32
        %add3A_191 = arith.addi %add3A_76, %mul3A_190 : i32
        %dma_start3A_192 = tpu.memref_slice %arg2[%select_n3A, %mul3A_72, %add3A_191] : memref<4x16x320000xf32, #tpu.memory_space<hbm>> -> memref<1x8x2048xf32, #tpu.memory_space<hbm>>
        %dma_start3A_193 = tpu.memref_squeeze %dma_start3A_192 : memref<1x8x2048xf32, #tpu.memory_space<hbm>> -> memref<8x2048xf32, #tpu.memory_space<hbm>>
        %dma_start3A_194 = tpu.memref_slice %arg2[%select_n3A, %mul3A_72, %add3A_191] : memref<4x16x320000xf32, #tpu.memory_space<hbm>> -> memref<1x8x2048xf32, #tpu.memory_space<hbm>>
        %dma_start3A_195 = tpu.memref_squeeze %dma_start3A_194 : memref<1x8x2048xf32, #tpu.memory_space<hbm>> -> memref<8x2048xf32, #tpu.memory_space<hbm>>
        tpu.enqueue_dma source(%dma_start3A_195 : memref<8x2048xf32, #tpu.memory_space<hbm>>) target(%arg5 : memref<8x2048xf32, #tpu.memory_space<vmem>>) target_semaphore(%arg8 : memref<!tpu.dma_semaphore, #tpu.memory_space<semaphore_mem>>)
      } else {
      }
      scf.yield %scan3A_178#0, %scan3A_178#1, %scan3A_178#2, %scan3A_178#3, %scan3A_178#4, %scan3A_178#5, %scan3A_178#6, %scan3A_178#7 : vector<16xf32>, vector<16xf32>, vector<16xf32>, vector<16xf32>, vector<16xf32>, vector<16xf32>, vector<16xf32>, vector<16xf32>
    }
    %scan3A_91 = arith.constant 2 : i32
    %swap3A = arith.constant 0 : i32
    %swap3A_92 = arith.index_cast %swap3A : i32 to index
    %swap3A_93 = arith.constant 0 : index
    %swap3A_94 = tpu.vector_load %arg6[%swap3A_92, %swap3A_93] {strides = array<i32>} : memref<8x16xf32, #tpu.memory_space<vmem>>, vector<1x16xf32>,
    %swap3A_95 = vector.shape_cast %swap3A_94 : vector<1x16xf32> to vector<16xf32>
    %swap3A_96 = vector.shape_cast %scan3A_90#0 : vector<16xf32> to vector<1x16xf32>
    tpu.vector_store %arg6[%swap3A_92, %swap3A_93], %swap3A_96 {strides = array<i32>} : memref<8x16xf32, #tpu.memory_space<vmem>>, vector<1x16xf32>,
    %swap3A_97 = arith.constant 1 : i32
    %swap3A_98 = arith.index_cast %swap3A_97 : i32 to index
    %swap3A_99 = arith.constant 0 : index
    %swap3A_100 = tpu.vector_load %arg6[%swap3A_98, %swap3A_99] {strides = array<i32>} : memref<8x16xf32, #tpu.memory_space<vmem>>, vector<1x16xf32>,
    %swap3A_101 = vector.shape_cast %swap3A_100 : vector<1x16xf32> to vector<16xf32>
    %swap3A_102 = vector.shape_cast %scan3A_90#1 : vector<16xf32> to vector<1x16xf32>
    tpu.vector_store %arg6[%swap3A_98, %swap3A_99], %swap3A_102 {strides = array<i32>} : memref<8x16xf32, #tpu.memory_space<vmem>>, vector<1x16xf32>,
    %swap3A_103 = arith.constant 2 : i32
    %swap3A_104 = arith.index_cast %swap3A_103 : i32 to index
    %swap3A_105 = arith.constant 0 : index
    %swap3A_106 = tpu.vector_load %arg6[%swap3A_104, %swap3A_105] {strides = array<i32>} : memref<8x16xf32, #tpu.memory_space<vmem>>, vector<1x16xf32>,
    %swap3A_107 = vector.shape_cast %swap3A_106 : vector<1x16xf32> to vector<16xf32>
    %swap3A_108 = vector.shape_cast %scan3A_90#2 : vector<16xf32> to vector<1x16xf32>
    tpu.vector_store %arg6[%swap3A_104, %swap3A_105], %swap3A_108 {strides = array<i32>} : memref<8x16xf32, #tpu.memory_space<vmem>>, vector<1x16xf32>,
    %swap3A_109 = arith.constant 3 : i32
    %swap3A_110 = arith.index_cast %swap3A_109 : i32 to index
    %swap3A_111 = arith.constant 0 : index
    %swap3A_112 = tpu.vector_load %arg6[%swap3A_110, %swap3A_111] {strides = array<i32>} : memref<8x16xf32, #tpu.memory_space<vmem>>, vector<1x16xf32>,
    %swap3A_113 = vector.shape_cast %swap3A_112 : vector<1x16xf32> to vector<16xf32>
    %swap3A_114 = vector.shape_cast %scan3A_90#3 : vector<16xf32> to vector<1x16xf32>
    tpu.vector_store %arg6[%swap3A_110, %swap3A_111], %swap3A_114 {strides = array<i32>} : memref<8x16xf32, #tpu.memory_space<vmem>>, vector<1x16xf32>,
    %swap3A_115 = arith.constant 4 : i32
    %swap3A_116 = arith.index_cast %swap3A_115 : i32 to index
    %swap3A_117 = arith.constant 0 : index
    %swap3A_118 = tpu.vector_load %arg6[%swap3A_116, %swap3A_117] {strides = array<i32>} : memref<8x16xf32, #tpu.memory_space<vmem>>, vector<1x16xf32>,
    %swap3A_119 = vector.shape_cast %swap3A_118 : vector<1x16xf32> to vector<16xf32>
    %swap3A_120 = vector.shape_cast %scan3A_90#4 : vector<16xf32> to vector<1x16xf32>
    tpu.vector_store %arg6[%swap3A_116, %swap3A_117], %swap3A_120 {strides = array<i32>} : memref<8x16xf32, #tpu.memory_space<vmem>>, vector<1x16xf32>,
    %swap3A_121 = arith.constant 5 : i32
    %swap3A_122 = arith.index_cast %swap3A_121 : i32 to index
    %swap3A_123 = arith.constant 0 : index
    %swap3A_124 = tpu.vector_load %arg6[%swap3A_122, %swap3A_123] {strides = array<i32>} : memref<8x16xf32, #tpu.memory_space<vmem>>, vector<1x16xf32>,
    %swap3A_125 = vector.shape_cast %swap3A_124 : vector<1x16xf32> to vector<16xf32>
    %swap3A_126 = vector.shape_cast %scan3A_90#5 : vector<16xf32> to vector<1x16xf32>
    tpu.vector_store %arg6[%swap3A_122, %swap3A_123], %swap3A_126 {strides = array<i32>} : memref<8x16xf32, #tpu.memory_space<vmem>>, vector<1x16xf32>,
    %swap3A_127 = arith.constant 6 : i32
    %swap3A_128 = arith.index_cast %swap3A_127 : i32 to index
    %swap3A_129 = arith.constant 0 : index
    %swap3A_130 = tpu.vector_load %arg6[%swap3A_128, %swap3A_129] {strides = array<i32>} : memref<8x16xf32, #tpu.memory_space<vmem>>, vector<1x16xf32>,
    %swap3A_131 = vector.shape_cast %swap3A_130 : vector<1x16xf32> to vector<16xf32>
    %swap3A_132 = vector.shape_cast %scan3A_90#6 : vector<16xf32> to vector<1x16xf32>
    tpu.vector_store %arg6[%swap3A_128, %swap3A_129], %swap3A_132 {strides = array<i32>} : memref<8x16xf32, #tpu.memory_space<vmem>>, vector<1x16xf32>,
    %swap3A_133 = arith.constant 7 : i32
    %swap3A_134 = arith.index_cast %swap3A_133 : i32 to index
    %swap3A_135 = arith.constant 0 : index
    %swap3A_136 = tpu.vector_load %arg6[%swap3A_134, %swap3A_135] {strides = array<i32>} : memref<8x16xf32, #tpu.memory_space<vmem>>, vector<1x16xf32>,
    %swap3A_137 = vector.shape_cast %swap3A_136 : vector<1x16xf32> to vector<16xf32>
    %swap3A_138 = vector.shape_cast %scan3A_90#7 : vector<16xf32> to vector<1x16xf32>
    tpu.vector_store %arg6[%swap3A_134, %swap3A_135], %swap3A_138 {strides = array<i32>} : memref<8x16xf32, #tpu.memory_space<vmem>>, vector<1x16xf32>,
    "tpu.region"() ({
      %run_scoped3A = tpu.sem_alloc : memref<!tpu.dma_semaphore, #tpu.memory_space<semaphore_mem>>
      %dma_start3A_139 = arith.constant 0 : i32
      %dma_start3A_140 = arith.constant 0 : i32
      %dma_start3A_141 = tpu.memref_slice %arg3[%add3A, %dma_start3A_139, %dma_start3A_140] : memref<32x8x16xf32, #tpu.memory_space<hbm>> -> memref<1x8x16xf32, #tpu.memory_space<hbm>>
      %dma_start3A_142 = tpu.memref_squeeze %dma_start3A_141 : memref<1x8x16xf32, #tpu.memory_space<hbm>> -> memref<8x16xf32, #tpu.memory_space<hbm>>
      %dma_start3A_143 = arith.constant 0 : i32
      %dma_start3A_144 = arith.constant 0 : i32
      %dma_start3A_145 = tpu.memref_slice %arg3[%add3A, %dma_start3A_143, %dma_start3A_144] : memref<32x8x16xf32, #tpu.memory_space<hbm>> -> memref<1x8x16xf32, #tpu.memory_space<hbm>>
      %dma_start3A_146 = tpu.memref_squeeze %dma_start3A_145 : memref<1x8x16xf32, #tpu.memory_space<hbm>> -> memref<8x16xf32, #tpu.memory_space<hbm>>
      tpu.enqueue_dma source(%arg6 : memref<8x16xf32, #tpu.memory_space<vmem>>) target(%dma_start3A_146 : memref<8x16xf32, #tpu.memory_space<hbm>>) target_semaphore(%run_scoped3A : memref<!tpu.dma_semaphore, #tpu.memory_space<semaphore_mem>>)
      %dma_wait3A = arith.constant 0 : i32
      %dma_wait3A_147 = arith.constant 0 : i32
      %dma_wait3A_148 = tpu.memref_slice %arg3[%add3A, %dma_wait3A, %dma_wait3A_147] : memref<32x8x16xf32, #tpu.memory_space<hbm>> -> memref<1x8x16xf32, #tpu.memory_space<hbm>>
      %dma_wait3A_149 = tpu.memref_squeeze %dma_wait3A_148 : memref<1x8x16xf32, #tpu.memory_space<hbm>> -> memref<8x16xf32, #tpu.memory_space<hbm>>
      %dma_wait3A_150 = arith.constant 0 : i32
      %dma_wait3A_151 = arith.constant 0 : i32
      %dma_wait3A_152 = tpu.memref_slice %arg3[%add3A, %dma_wait3A_150, %dma_wait3A_151] : memref<32x8x16xf32, #tpu.memory_space<hbm>> -> memref<1x8x16xf32, #tpu.memory_space<hbm>>
      %dma_wait3A_153 = tpu.memref_squeeze %dma_wait3A_152 : memref<1x8x16xf32, #tpu.memory_space<hbm>> -> memref<8x16xf32, #tpu.memory_space<hbm>>
      tpu.wait_dma2 semaphore(%run_scoped3A : memref<!tpu.dma_semaphore, #tpu.memory_space<semaphore_mem>>) src(%arg6 : memref<8x16xf32, #tpu.memory_space<vmem>>) dst(%dma_wait3A_153 : memref<8x16xf32, #tpu.memory_space<hbm>>)
      tpu.yield
    }) : () -> ()
    return
  }
}

module attributes {stable_mosaic.version = 14 : i64} {
  func.func @_combine_body(%arg0: memref<4x128xf32, #tpu.memory_space<vmem>>, %arg1: memref<4x128xf32, #tpu.memory_space<vmem>>, %arg2: memref<4x16xf32, #tpu.memory_space<vmem>>, %arg3: memref<32x8x16xf32, #tpu.memory_space<vmem>>, %arg4: memref<272x128xf32, #tpu.memory_space<vmem>>, %arg5: memref<1x128xf32, #tpu.memory_space<vmem>>, %arg6: memref<4x128xf32, #tpu.memory_space<vmem>>) attributes {dimension_semantics = [], scalar_prefetch = 0 : i64, scratch_operands = 0 : i64, tpu.core_type = #tpu.core_type<tc>} {
    %get3A = arith.constant 0 : index
    %get3A_0 = arith.constant 0 : index
    %get3A_1 = arith.constant 0 : index
    %get3A_2 = vector.load %arg3[%get3A, %get3A_0, %get3A_1] : memref<32x8x16xf32, #tpu.memory_space<vmem>>, vector<32x8x16xf32>
    %reshape3A = vector.shape_cast %get3A_2 : vector<32x8x16xf32> to vector<4x2x4x8x16xf32>
    %reduce_sum3A = arith.constant dense<0.000000e+00> : vector<4x2x8xf32>
    %reduce_sum3A_3 = vector.multi_reduction <add>, %reshape3A, %reduce_sum3A [2, 4] : vector<4x2x4x8x16xf32> to vector<4x2x8xf32>
    %get3A_4 = arith.constant 0 : index
    %get3A_5 = arith.constant 0 : index
    %get3A_6 = vector.load %arg2[%get3A_4, %get3A_5] : memref<4x16xf32, #tpu.memory_space<vmem>>, vector<4x16xf32>
    %reshape3A_7 = vector.shape_cast %reduce_sum3A_3 : vector<4x2x8xf32> to vector<4x16xf32>
    %add3A = arith.addf %get3A_6, %reshape3A_7 : vector<4x16xf32>
    %mul3A = arith.constant 3.125000e-06 : f32
    %mul3A_8 = vector.broadcast %mul3A : f32 to vector<4x16xf32>
    %mul3A_9 = arith.mulf %add3A, %mul3A_8 : vector<4x16xf32>
    %get3A_10 = arith.constant 0 : index
    %get3A_11 = arith.constant 0 : index
    %get3A_12 = vector.load %arg0[%get3A_10, %get3A_11] : memref<4x128xf32, #tpu.memory_space<vmem>>, vector<4x128xf32>
    %get3A_13 = arith.constant 0 : index
    %get3A_14 = arith.constant 0 : index
    %get3A_15 = vector.load %arg4[%get3A_13, %get3A_14] : memref<272x128xf32, #tpu.memory_space<vmem>>, vector<128x128xf32>
    %dot_general3A = arith.constant dense<0.000000e+00> : vector<4x128xf32>
    %dot_general3A_16 = tpu.matmul %get3A_12, %get3A_15, %dot_general3A {dimension_numbers = #tpu.dot_dimension_numbers<[1], [0], [0], [1], [0, 0, 1, 1], [], []>, transpose_lhs_hint = false} : vector<4x128xf32>, vector<128x128xf32>, vector<4x128xf32> -> vector<4x128xf32>
    %get3A_17 = arith.constant 0 : index
    %get3A_18 = arith.constant 0 : index
    %get3A_19 = vector.load %arg1[%get3A_17, %get3A_18] : memref<4x128xf32, #tpu.memory_space<vmem>>, vector<4x128xf32>
    %get3A_20 = arith.constant 128 : index
    %get3A_21 = arith.constant 0 : index
    %get3A_22 = vector.load %arg4[%get3A_20, %get3A_21] : memref<272x128xf32, #tpu.memory_space<vmem>>, vector<128x128xf32>
    %dot_general3A_23 = arith.constant dense<0.000000e+00> : vector<4x128xf32>
    %dot_general3A_24 = tpu.matmul %get3A_19, %get3A_22, %dot_general3A_23 {dimension_numbers = #tpu.dot_dimension_numbers<[1], [0], [0], [1], [0, 0, 1, 1], [], []>, transpose_lhs_hint = false} : vector<4x128xf32>, vector<128x128xf32>, vector<4x128xf32> -> vector<4x128xf32>
    %add3A_25 = arith.addf %dot_general3A_16, %dot_general3A_24 : vector<4x128xf32>
    %get3A_26 = arith.constant 256 : index
    %get3A_27 = arith.constant 0 : index
    %get3A_28 = vector.load %arg4[%get3A_26, %get3A_27] : memref<272x128xf32, #tpu.memory_space<vmem>>, vector<16x128xf32>
    %dot_general3A_29 = arith.constant dense<0.000000e+00> : vector<4x128xf32>
    %dot_general3A_30 = tpu.matmul %mul3A_9, %get3A_28, %dot_general3A_29 {dimension_numbers = #tpu.dot_dimension_numbers<[1], [0], [0], [1], [0, 0, 1, 1], [], []>, transpose_lhs_hint = false} : vector<4x16xf32>, vector<16x128xf32>, vector<4x128xf32> -> vector<4x128xf32>
    %add3A_31 = arith.addf %add3A_25, %dot_general3A_30 : vector<4x128xf32>
    %get3A_32 = arith.constant 0 : index
    %get3A_33 = arith.constant 0 : index
    %get3A_34 = vector.load %arg5[%get3A_32, %get3A_33] : memref<1x128xf32, #tpu.memory_space<vmem>>, vector<1x128xf32>
    %add3A_35 = vector.broadcast %get3A_34 : vector<1x128xf32> to vector<4x128xf32>
    %add3A_36 = arith.addf %add3A_31, %add3A_35 : vector<4x128xf32>
    %swap3A = arith.constant 0 : index
    %swap3A_37 = arith.constant 0 : index
    %swap3A_38 = vector.load %arg6[%swap3A, %swap3A_37] : memref<4x128xf32, #tpu.memory_space<vmem>>, vector<4x128xf32>
    tpu.vector_store %arg6[%swap3A, %swap3A_37], %add3A_36 {strides = array<i32>} : memref<4x128xf32, #tpu.memory_space<vmem>>, vector<4x128xf32>,
    return
  }
}

module attributes {stable_mosaic.version = 14 : i64} {
  func.func @_tc_body(%arg0: i32, %arg1: memref<4x1000x128xf32, #tpu.memory_space<vmem>>, %arg2: memref<4x16x27904xf32, #tpu.memory_space<vmem>>, %arg3: memref<4x128xf32, #tpu.memory_space<vmem>>, %arg4: memref<4x16xf32, #tpu.memory_space<vmem>>, %arg5: memref<4x8x128xf32, #tpu.memory_space<vmem>>, %arg6: memref<4x16x128xf32, #tpu.memory_space<vmem>>) attributes {dimension_semantics = [#tpu.dimension_semantics<arbitrary>], iteration_bounds = array<i64: 10>, scalar_prefetch = 0 : i64, scratch_operands = 2 : i64, tpu.core_type = #tpu.core_type<tc>, window_params = [{transform_indices = @transform_0, window_bounds = array<i64: 4, 1000, 128>}, {transform_indices = @transform_1, window_bounds = array<i64: 4, 16, 27904>}, {pipeline_mode = #tpu.pipeline_mode<synchronous>, transform_indices = @transform_2, window_bounds = array<i64: 4, 128>}, {pipeline_mode = #tpu.pipeline_mode<synchronous>, transform_indices = @transform_3, window_bounds = array<i64: 4, 16>}]} {
    %eq3A = arith.constant 0 : i32
    %eq3A_0 = arith.cmpi eq, %arg0, %eq3A : i32
    %convert_element_type3A = arith.extui %eq3A_0 : i1 to i32
    %cond3A = arith.constant 0 : i32
    %cond3A_1 = arith.cmpi ne, %convert_element_type3A, %cond3A : i32
    scf.if %cond3A_1 {
      %broadcast_in_dim3A = arith.constant 0.000000e+00 : f32
      %broadcast_in_dim3A_34 = vector.broadcast %broadcast_in_dim3A : f32 to vector<4x8x128xf32>
      %swap3A_35 = arith.constant 0 : index
      %swap3A_36 = arith.constant 0 : index
      %swap3A_37 = arith.constant 0 : index
      %swap3A_38 = vector.load %arg5[%swap3A_35, %swap3A_36, %swap3A_37] : memref<4x8x128xf32, #tpu.memory_space<vmem>>, vector<4x8x128xf32>
      tpu.vector_store %arg5[%swap3A_35, %swap3A_36, %swap3A_37], %broadcast_in_dim3A_34 {strides = array<i32>} : memref<4x8x128xf32, #tpu.memory_space<vmem>>, vector<4x8x128xf32>,
      %broadcast_in_dim3A_39 = arith.constant 0.000000e+00 : f32
      %broadcast_in_dim3A_40 = vector.broadcast %broadcast_in_dim3A_39 : f32 to vector<4x16x128xf32>
      %swap3A_41 = arith.constant 0 : index
      %swap3A_42 = arith.constant 0 : index
      %swap3A_43 = arith.constant 0 : index
      %swap3A_44 = vector.load %arg6[%swap3A_41, %swap3A_42, %swap3A_43] : memref<4x16x128xf32, #tpu.memory_space<vmem>>, vector<4x16x128xf32>
      tpu.vector_store %arg6[%swap3A_41, %swap3A_42, %swap3A_43], %broadcast_in_dim3A_40 {strides = array<i32>} : memref<4x16x128xf32, #tpu.memory_space<vmem>>, vector<4x16x128xf32>,
    } else {
    }
    %get3A = arith.constant 0 : index
    %get3A_2 = arith.constant 0 : index
    %get3A_3 = arith.constant 0 : index
    %get3A_4 = vector.load %arg5[%get3A, %get3A_2, %get3A_3] : memref<4x8x128xf32, #tpu.memory_space<vmem>>, vector<4x8x128xf32>
    %get3A_5 = arith.constant 0 : index
    %get3A_6 = arith.constant 0 : index
    %get3A_7 = arith.constant 0 : index
    %get3A_8 = vector.load %arg1[%get3A_5, %get3A_6, %get3A_7] : memref<4x1000x128xf32, #tpu.memory_space<vmem>>, vector<4x1000x128xf32>
    %reshape3A = vector.shape_cast %get3A_8 : vector<4x1000x128xf32> to vector<4x125x8x128xf32>
    %reduce_sum3A = arith.constant dense<0.000000e+00> : vector<4x8x128xf32>
    %reduce_sum3A_9 = vector.multi_reduction <add>, %reshape3A, %reduce_sum3A [1] : vector<4x125x8x128xf32> to vector<4x8x128xf32>
    %add3A = arith.addf %get3A_4, %reduce_sum3A_9 : vector<4x8x128xf32>
    %swap3A = arith.constant 0 : index
    %swap3A_10 = arith.constant 0 : index
    %swap3A_11 = arith.constant 0 : index
    %swap3A_12 = vector.load %arg5[%swap3A, %swap3A_10, %swap3A_11] : memref<4x8x128xf32, #tpu.memory_space<vmem>>, vector<4x8x128xf32>
    tpu.vector_store %arg5[%swap3A, %swap3A_10, %swap3A_11], %add3A {strides = array<i32>} : memref<4x8x128xf32, #tpu.memory_space<vmem>>, vector<4x8x128xf32>,
    %get3A_13 = arith.constant 0 : index
    %get3A_14 = arith.constant 0 : index
    %get3A_15 = arith.constant 0 : index
    %get3A_16 = vector.load %arg6[%get3A_13, %get3A_14, %get3A_15] : memref<4x16x128xf32, #tpu.memory_space<vmem>>, vector<4x16x128xf32>
    %get3A_17 = arith.constant 0 : index
    %get3A_18 = arith.constant 0 : index
    %get3A_19 = arith.constant 0 : index
    %get3A_20 = vector.load %arg2[%get3A_17, %get3A_18, %get3A_19] : memref<4x16x27904xf32, #tpu.memory_space<vmem>>, vector<4x16x27904xf32>
    %reshape3A_21 = vector.shape_cast %get3A_20 : vector<4x16x27904xf32> to vector<4x16x218x128xf32>
    %reduce_sum3A_22 = arith.constant dense<0.000000e+00> : vector<4x16x128xf32>
    %reduce_sum3A_23 = vector.multi_reduction <add>, %reshape3A_21, %reduce_sum3A_22 [2] : vector<4x16x218x128xf32> to vector<4x16x128xf32>
    %add3A_24 = arith.addf %get3A_16, %reduce_sum3A_23 : vector<4x16x128xf32>
    %swap3A_25 = arith.constant 0 : index
    %swap3A_26 = arith.constant 0 : index
    %swap3A_27 = arith.constant 0 : index
    %swap3A_28 = vector.load %arg6[%swap3A_25, %swap3A_26, %swap3A_27] : memref<4x16x128xf32, #tpu.memory_space<vmem>>, vector<4x16x128xf32>
    tpu.vector_store %arg6[%swap3A_25, %swap3A_26, %swap3A_27], %add3A_24 {strides = array<i32>} : memref<4x16x128xf32, #tpu.memory_space<vmem>>, vector<4x16x128xf32>,
    %eq3A_29 = arith.constant 9 : i32
    %eq3A_30 = arith.cmpi eq, %arg0, %eq3A_29 : i32
    %convert_element_type3A_31 = arith.extui %eq3A_30 : i1 to i32
    %cond3A_32 = arith.constant 0 : i32
    %cond3A_33 = arith.cmpi ne, %convert_element_type3A_31, %cond3A_32 : i32
    scf.if %cond3A_33 {
      %get3A_34 = arith.constant 0 : index
      %get3A_35 = arith.constant 0 : index
      %get3A_36 = arith.constant 0 : index
      %get3A_37 = vector.load %arg5[%get3A_34, %get3A_35, %get3A_36] : memref<4x8x128xf32, #tpu.memory_space<vmem>>, vector<4x8x128xf32>
      %reduce_sum3A_38 = arith.constant dense<0.000000e+00> : vector<4x128xf32>
      %reduce_sum3A_39 = vector.multi_reduction <add>, %get3A_37, %reduce_sum3A_38 [1] : vector<4x8x128xf32> to vector<4x128xf32>
      %mul3A = arith.constant 9.99999974E-5 : f32
      %mul3A_40 = vector.broadcast %mul3A : f32 to vector<4x128xf32>
      %mul3A_41 = arith.mulf %reduce_sum3A_39, %mul3A_40 : vector<4x128xf32>
      %swap3A_42 = arith.constant 0 : index
      %swap3A_43 = arith.constant 0 : index
      %swap3A_44 = vector.load %arg3[%swap3A_42, %swap3A_43] : memref<4x128xf32, #tpu.memory_space<vmem>>, vector<4x128xf32>
      tpu.vector_store %arg3[%swap3A_42, %swap3A_43], %mul3A_41 {strides = array<i32>} : memref<4x128xf32, #tpu.memory_space<vmem>>, vector<4x128xf32>,
      %get3A_45 = arith.constant 0 : index
      %get3A_46 = arith.constant 0 : index
      %get3A_47 = arith.constant 0 : index
      %get3A_48 = vector.load %arg6[%get3A_45, %get3A_46, %get3A_47] : memref<4x16x128xf32, #tpu.memory_space<vmem>>, vector<4x16x128xf32>
      %reduce_sum3A_49 = arith.constant dense<0.000000e+00> : vector<4x16xf32>
      %reduce_sum3A_50 = vector.multi_reduction <add>, %get3A_48, %reduce_sum3A_49 [2] : vector<4x16x128xf32> to vector<4x16xf32>
      %swap3A_51 = arith.constant 0 : index
      %swap3A_52 = arith.constant 0 : index
      %swap3A_53 = vector.load %arg4[%swap3A_51, %swap3A_52] : memref<4x16xf32, #tpu.memory_space<vmem>>, vector<4x16xf32>
      tpu.vector_store %arg4[%swap3A_51, %swap3A_52], %reduce_sum3A_50 {strides = array<i32>} : memref<4x16xf32, #tpu.memory_space<vmem>>, vector<4x16xf32>,
    } else {
    }
    return
  }
  func.func @transform_0(%arg0: i32) -> (i32, i32, i32) {
    %c0_i32 = arith.constant 0 : i32
    %c0_i32_0 = arith.constant 0 : i32
    %c0_i32_1 = arith.constant 0 : i32
    return %c0_i32, %arg0, %c0_i32_0 : i32, i32, i32
  }
  func.func @transform_1(%arg0: i32) -> (i32, i32, i32) {
    %c0_i32 = arith.constant 0 : i32
    %c0_i32_0 = arith.constant 0 : i32
    %c0_i32_1 = arith.constant 0 : i32
    return %c0_i32, %c0_i32_0, %arg0 : i32, i32, i32
  }
  func.func @transform_2(%arg0: i32) -> (i32, i32) {
    %c0_i32 = arith.constant 0 : i32
    %c0_i32_0 = arith.constant 0 : i32
    %c0_i32_1 = arith.constant 0 : i32
    return %c0_i32, %c0_i32_0 : i32, i32
  }
  func.func @transform_3(%arg0: i32) -> (i32, i32) {
    %c0_i32 = arith.constant 0 : i32
    %c0_i32_0 = arith.constant 0 : i32
    %c0_i32_1 = arith.constant 0 : i32
    return %c0_i32, %c0_i32_0 : i32, i32
  }
}

</mosaic_0001>

<sc_bundles>
// kernel: kernel.5.cloned.1.call-start
scs
__scs_entry_jumppad:
0x0: {  	(pc) =	sbr.rel $0x88, $3  }
0x1: {  	(tag) =	ssettag $0x0;
	lr =	simm.s32 $0x1  }
0x2: {  	[smem:$0x3F9C] =	sst lr;
	_ =	strace $0xD0000000  }
0x3: {  	_ = 	snop  }
0x4: {  	_ = 	snop  }
0x5: {  	_ = 	snop  }
0x6: {  	_ = 	snop  }
0x7: {  	_ = 	snop  }
__scs_overlays_trampoline_lowered:
0x8: {  	[smem:$0x3FAB] =	sst s0  }
0x9: {  	[smem:$0x3FAC] =	sst s1  }
0xa: {  	[smem:$0x3FAD] =	sst s2  }
0xb: {  	[smem:$0x3FAE] =	sst s3  }
0xc: {  	[smem:$0x3FAF] =	sst s4  }
0xd: {  	[smem:$0x3FB0] =	sst s5  }
0xe: {  	[smem:$0x3FB1] =	sst s6  }
0xf: {  	[smem:$0x3FB2] =	sst s7  }
0x10: {  	[smem:$0x3FB3] =	sst s8  }
0x11: {  	[smem:$0x3FB4] =	sst s9;
	s0 =	simm.s32 @!p0 $0x0  }
0x12: {  	s1 =	sld [smem:$0x3F9A];
	s0 =	simm.s32 @p0 $0x1  }
0x13: {  	[smem:$0x3FB5] =	sst s0;
	s0 =	simm.s32 @!p1 $0x0  }
0x14: {  	s2 =	sld [smem:$0x3F99];
	s0 =	simm.s32 @p1 $0x1  }
0x15: {  	[smem:$0x3FB6] =	sst s0;
	s0 =	simm.s32 @!p2 $0x0  }
0x16: {  	s3 =	sld [smem:$0x3FDB];
	s0 =	simm.s32 @p2 $0x1  }
0x17: {  	s4 =	simm.s32 $0x1BF5;
	[smem:$0x3FB8] =	sst s0  }
0x18: {  	s0 =	sld [smem:$0x3F9B];
	_ =	swait.ge [sflag:s4], $0x0  }
0x19: {  	s7 =	sld [smem:$0x3F9C]  }
0x1a: {  	s8 =	sadd.s32 $0xFFFFE003, lr  }
0x1b: {  	s9 =	sadd.s32 $0xFFFFFEF7, lr;
	s5 =	simm.s32 $0xFFFFFFFF;
	p2 =	slt.u32 s8, $0xFFFFF086  }
0x1c: {  	p1 =	slt.u32 s9, $0xF7A;
	s5 =	simm.s32 @!p2 $0x0  }
0x1d: {  	s5 =	simm.s32 @p1 $0x1;
	p0 =	seq.s32 s7, s2  }
0x1e: {  	s7 =	smul.u32 @!p0 $0xF7A, s2;
	p2 =	seq.s32 @!p0 s5, $0x0  }
0x1f: {  	s9 =	smul.u32 $0xF7A, s1;
	s8 =	simm.s32 @!p0 $0x1BF5;
	p2 =	por !p2, p0  }
0x20: {  	[sflag:s8] =	ssyncset.s32 @!p0 $0xFFFFF086;
	s6 =	sadd.s32 @!p0 s3, s7;
	s7 =	simm.s32 @!p0 $0x108  }
0x21: {  	s3 =	sadd.s32 s3, s9;
	s6 =	sadd.s32 @!p0 $0x88, s6;
	s7 =	simm.s32 @p2 $0x1082  }
0x22: {  	[simem:s7], [sflag:s8] =	dma.local @!p0 [hbm:s6], $0xF7A  }
0x23: {  	s9 =	sor.u32 $0xD0000000, s2;
	s6 =	simm.s32 $0x108;
	_ =	swait.ge @!p0 [sflag:s8], $0x0  }
0x24: {  	s3 =	sadd.s32 $0x88, s3;
	s6 =	simm.s32 @!p1 $0x1082;
	[sflag:s4] =	ssyncset.s32 $0xFFFFF086  }
0x25: {  	[simem:s6], [sflag:s4] =	dma.local [hbm:s3], $0xF7A  }
0x26: {  	[smem:$0x3F9C] =	sst s1;
	(tag) =	ssettag s2;
	_ =	strace s9  }
0x27: {  	s1 =	sld [smem:$0x3FAC]  }
0x28: {  	s2 =	sld [smem:$0x3FAD]  }
0x29: {  	s4 =	sld [smem:$0x3FAF]  }
0x2a: {  	p0 =	seq.s32 s5, $0x0;
	s5 =	sld [smem:$0x3FB0]  }
0x2b: {  	s6 =	sld [smem:$0x3FB1]  }
0x2c: {  	s7 =	sld [smem:$0x3FB2]  }
0x2d: {  	s3 =	simm.s32 $0x108;
	s8 =	sld [smem:$0x3FB3]  }
0x2e: {  	s3 =	simm.s32 @!p0 $0x1082;
	s9 =	sld [smem:$0x3FB4]  }
0x2f: {  	lr =	sadd.s32 s0, s3;
	s0 =	sld [smem:$0x3FAB]  }
0x30: {  	s3 =	sld [smem:$0x3FAE]  }
0x31: {  	[smem:$0x3FB7] =	sst s10  }
0x32: {  	s10 =	sld [smem:$0x3FB5];
	_ =	sdelay $0x3  }
0x33: {  	p0 =	seq.s32 s10, $0x1;
	s10 =	sld [smem:$0x3FB7];
	_ =	sdelay $0x3  }
0x34: {  	[smem:$0x3FB7] =	sst s10  }
0x35: {  	s10 =	sld [smem:$0x3FB6];
	_ =	sdelay $0x3  }
0x36: {  	p1 =	seq.s32 s10, $0x1;
	s10 =	sld [smem:$0x3FB7];
	_ =	sdelay $0x3  }
0x37: {  	[smem:$0x3FB7] =	sst s10  }
0x38: {  	s10 =	sld [smem:$0x3FB8]  }
0x39: {  	_ = 	snop;
	(pc) =	sbr.ind lr, $3  }
0x3a: {  	_ = 	snop  }
0x3b: {  	_ = 	snop  }
0x3c: {  	p2 =	seq.s32 s10, $0x1;
	s10 =	sld [smem:$0x3FB7]  }
0x3d: {  	_ =	shalt  }
0x3e: {  	_ =	shalt  }
0x3f: {  	_ =	shalt  }
0x40: {  	_ =	shalt  }
0x41: {  	_ =	shalt  }
0x42: {  	_ =	shalt  }
0x43: {  	_ =	shalt  }
0x44: {  	_ =	shalt  }
0x45: {  	_ =	shalt  }
0x46: {  	_ =	shalt  }
0x47: {  	_ =	shalt  }
0x48: {  	_ =	shalt  }
0x49: {  	_ =	shalt  }
0x4a: {  	_ =	shalt  }
0x4b: {  	_ =	shalt  }
0x4c: {  	_ =	shalt  }
0x4d: {  	_ =	shalt  }
0x4e: {  	_ =	shalt  }
0x4f: {  	_ =	shalt  }
0x50: {  	_ =	shalt  }
0x51: {  	_ =	shalt  }
0x52: {  	_ =	shalt  }
0x53: {  	_ =	shalt  }
0x54: {  	_ =	shalt  }
0x55: {  	_ =	shalt  }
0x56: {  	_ =	shalt  }
0x57: {  	_ =	shalt  }
0x58: {  	_ =	shalt  }
0x59: {  	_ =	shalt  }
0x5a: {  	_ =	shalt  }
0x5b: {  	_ =	shalt  }
0x5c: {  	_ =	shalt  }
0x5d: {  	_ =	shalt  }
0x5e: {  	_ =	shalt  }
0x5f: {  	_ =	shalt  }
0x60: {  	_ =	shalt  }
0x61: {  	_ =	shalt  }
0x62: {  	_ =	shalt  }
0x63: {  	_ =	shalt  }
0x64: {  	_ =	shalt  }
0x65: {  	_ =	shalt  }
0x66: {  	_ =	shalt  }
0x67: {  	_ =	shalt  }
0x68: {  	_ =	shalt  }
0x69: {  	_ =	shalt  }
0x6a: {  	_ =	shalt  }
0x6b: {  	_ =	shalt  }
0x6c: {  	_ =	shalt  }
0x6d: {  	_ =	shalt  }
0x6e: {  	_ =	shalt  }
0x6f: {  	_ =	shalt  }
0x70: {  	_ =	shalt  }
0x71: {  	_ =	shalt  }
0x72: {  	_ =	shalt  }
0x73: {  	_ =	shalt  }
0x74: {  	_ =	shalt  }
0x75: {  	_ =	shalt  }
0x76: {  	_ =	shalt  }
0x77: {  	_ =	shalt  }
0x78: {  	_ =	shalt  }
0x79: {  	_ =	shalt  }
0x7a: {  	_ =	shalt  }
0x7b: {  	_ =	shalt  }
0x7c: {  	_ =	shalt  }
0x7d: {  	_ =	shalt  }
0x7e: {  	_ =	shalt  }
0x7f: {  	_ =	shalt  }
0x80: {  	_ =	shalt  }
0x81: {  	_ =	shalt  }
0x82: {  	_ =	shalt  }
0x83: {  	_ =	shalt  }
0x84: {  	_ =	shalt  }
0x85: {  	_ =	shalt  }
0x86: {  	_ =	shalt  }
0x87: {  	_ =	shalt  }
.Lfunc_end0:
.L_simem_size_0:
called_computation_lowered:
.L_overlay_start_0:
0x88: {  	s2 =	sld [smem:$0x3FD9]  }
0x89: {  	s3 =	sld [smem:$0x3FFE];
	_ =	sdelay $0x1  }
0x8a: {  	s1 =	srdreg.scid  }
0x8b: {  	s0 =	sand.u32 $0x1, s1  }
0x8c: {  	s17 =	sshll.u32 s0, $0xA;
	s2 =	sadd.s32 s3, s2  }
0x8d: {  	s2 =	sadd.s32 s2, s17  }
0x8e: {  	[smem:$0x3FC3] =	sst s2  }
0x8f: {  	_ = 	snop  }
0x90: {  	s2 =	sld [smem:$0x3FC7];
	(tm) =	ssettm $0x1  }
0x91: {  	s18 =	sld [smem:$0x3FFB];
	_ =	sdelay $0x3  }
0x92: {  	_ =	strace s18  }
0x93: {  	s3 =	sld [smem:$0x3FFC];
	_ =	sdelay $0x3  }
0x94: {  	_ =	strace s3  }
0x95: {  	s3 =	sld [smem:$0x3FFD];
	_ =	sdelay $0x3  }
0x96: {  	_ =	strace s3  }
0x97: {  	_ =	strace $0x8FFFFFFF  }
0x98: {  	s19 =	sld [smem:$0x3FDB];
	_ =	sdelay $0x1  }
0x99: {  	s4 =	simm.s32 $_scs_section_size  }
0x9a: {  	s5 =	simm.s32 $_size__tile_overlayer_lowered;
	s6 =	simm.s32 $_tile_overlayer_lowered  }
0x9b: {  	s22 =	simm.s32 $0x1BFF;
	s21 =	sshll.u32 s6, $0x1;
	s3 =	sadd.s32 s4, s19  }
0x9c: {  	s7 =	simm.s32 $0x0;
	s20 =	sshll.u32 s5, $0x1;
	s5 =	sadd.s32 s21, s3  }
0x9d: {  	[timem:s7], [sflag:s22] =	dma.local [hbm:s5], s20  }
0x9e: {  	_ =	swait.ge [sflag:s22], s20  }
0x9f: {  	s4 =	ssub.s32 $0x0, s20;
	[sflag:s22] =	ssyncset.done $0x0  }
0xa0: {  	[sflag:s22] =	ssyncadd.s32 s4;
	_ =	sdelay $0x1  }
0xa1: {  	s23 =	simm.s32 $0x1B8B  }
0xa2: {  	_ =	swait.ge [sflag:s23], $0x1  }
0xa3: {  	[sflag:s23] =	ssyncset.done $0x0  }
0xa4: {  	s25 =	simm.s32 $0x1B8E;
	s24 =	sld [smem:$0x3FFE];
	[sflag:s23] =	ssyncadd.s32 $0xFFFFFFFF  }
0xa5: {  	s26 =	simm.s32 $execute0_lowered;
	[smem:$0x3FD2] =	sst s25  }
0xa6: {  	s5 =	sshll.u32 s26, $0x1;
	_ =	strace $0x80000046;
	[dreg:$0x1] =	wrdreg $0xFFFFFFFF  }
0xa7: {  	s28 =	simm.s32 $_size_execute0_lowered;
	s3 =	sadd.s32 s3, s5;
	[dreg:$0x0] =	wrdreg $0x0  }
0xa8: {  	s5 =	sshll.u32 s28, $0x1;
	[dreg:$0x2] =	wrdreg s3  }
0xa9: {  	[dreg:$0x3] =	wrdreg s5  }
0xaa: {  	[dreg:$0x4] =	wrdreg $0xC0  }
0xab: {  	_ =	task [dreg:s7], $0x5FFFF  }
0xac: {  	[dreg:$0x1] =	wrdreg $0xFFFFFFFF  }
0xad: {  	[dreg:$0x0] =	wrdreg $0x60  }
0xae: {  	[dreg:$0x2] =	wrdreg s2  }
0xaf: {  	[dreg:$0x3] =	wrdreg s24  }
0xb0: {  	[dreg:$0x4] =	wrdreg $0x9  }
0xb1: {  	_ =	task.clear_ibuf [dreg:s7], $0x5FFFF;
	_ =	strace $0x90000046  }
0xb2: {  	s29 =	simm.s32 $0x9;
	_ =	strace $0x80000048  }
0xb3: {  	_ =	swait.ge [sflag:s29], $0x1  }
0xb4: {  	[sflag:s29] =	ssyncadd.s32 $0xFFFFFFFF  }
0xb5: {  	_ =	strace $0x90000048  }
0xb6: {  	_ =	sfence  }
0xb7: {  	s30 =	sld [smem:$0x0];
	_ =	sdelay $0x2  }
0xb8: {  	s31 =	sshll.u32 s1, $0xD;
	s1 =	sshrl.u32 s1, $0x2  }
0xb9: {  	s3 =	sand.u32 $0x4000, s31;
	s1 =	sadd.s32 s1, s30  }
0xba: {  	s0 =	sor.u32 s3, s0;
	s1 =	sshll.u32 s1, $0x11  }
0xbb: {  	s0 =	sor.u32 s1, s0  }
0xbc: {  	s0 =	sadd.s32 $0x8F2B, s0  }
0xbd: {  	[sflag:s0] =	ssyncadd.remote.s32 $0x1  }
0xbe: {  	_ =	sfence.sel $0xFFFF  }
0xbf: {  	[dreg:$0x0] =	wrdreg $0xFFFFFFFF;
	(pc) =	sbr.abs _section_cstart, $3  }
0xc0: {  	[dreg:$0x1] =	wrdreg $0xFFFFFFFF  }
0xc1: {  	_ =	task.clear_ibuf [dreg:s7], $0x2FFFF;
	_ =	strace $0x9FFFFFFF  }
0xc2: {  	(tm) =	ssettm $0x7FFFFFFF  }
0xc3: {  	_ =	shalt  }
tec
execute0_lowered:
.L_overlay_start_1:
0x0: {  	(tag) =	ssettag $0x1  }
0x1: {  	s2 =	rddreg [dreg:$0x0]  }
0x2: {  	s4 =	rddreg [dreg:$0x1]  }
0x3: {  	s0 =	rddreg [dreg:$0x2];
	s5 =	srdreg.scid  }
0x4: {  	s1 =	stileid.u32;
	s3 =	simm.s32 $0x0;
	s12 =	simm.s32 $0x2  }
0x5: {  	s13 =	simm.s32 $0x8000;
	s14 =	simm.s32 $0x3;
	s15 =	simm.s32 $0x0  }
0x6: {  	s5 =	sand.u32 $0x1, s5;
	s6 =	sshll.u32 s1, $0x1;
	[smem:$0x7FF] =	sst s3  }
0x7: {  	s8 =	sshrl.u32 s1, $0x2;
	s9 =	sshll.u32 s1, $0x1E;
	s6 =	sor.u32 s5, s6  }
0x8: {  	_ =	strace $0x80000047;
	s9 =	sshra.s32 s9, $0x1F;
	s8 =	smul.u32 $0x4E2000, s8  }
0x9: {  	s5 =	ssub.s32 $0x2, s5;
	s7 =	sand.u32 $0x3, s6;
	s6 =	sshll.u32 s6, $0x7  }
0xa: {  	s9 =	sand.u32 $0x271000, s9;
	s24 =	sshrl.u32 s5, $0x1;
	s10 =	smul.u32 $0x2800, s7  }
0xb: {  	s7 =	smul.u32 $0x14000, s7;
	s11 =	sadd.s32 s6, s4;
	s25 =	sadd.s32 s8, s9  }
0xc: {  	s26 =	ssub.s32 s5, s24;
	s30 =	sshrl.u32 s25, $0x3;
	s8 =	sadd.s32 $0x1000, s11  }
.Ltmp0:
0xd: {  	s9 =	smax.u32 s26, $0x1;
	s11 =	simm.s32 $0x1;
	(pc) =	sbr.rel .LBB2_1-.Ltmp0, $4  }
0xe: {  	s28 =	sadd.s32 $0x44200, s10;
	s29 =	sadd.s32 s25, s7;
	s10 =	simm.s32 $0x4000  }
0xf: {  	s5 =	sshrl.u32 s29, $0x3;
	s31 =	sshll.u32 s28, $0x3;
	s4 =	sadd.s32 s2, s28  }
0x10: {  	s5 =	sadd.s32 s2, s5;
	s6 =	sadd.s32 s31, s25;
	s4 =	sadd.s32 s30, s4  }
0x11: {  	s5 =	sadd.s32 $0x44A00, s5;
	s6 =	sadd.s32 $0x8000, s6;
	s7 =	sadd.s32 $0x1800, s4  }
.LBB2_8:
0x12: {  	[tilespmem:$0x8000] =	vst v15  }
0x13: {  	[tilespmem:$0x8080] =	vst v6  }
0x14: {  	[tilespmem:$0x8100] =	vst v5  }
0x15: {  	[tilespmem:$0x8180] =	vst v4  }
0x16: {  	[tilespmem:$0x8200] =	vst v3  }
0x17: {  	[tilespmem:$0x8280] =	vst v2;
	s15 =	sadd.s32 $0x1, s15  }
0x18: {  	[tilespmem:$0x8300] =	vst v1;
	p0 =	sne.s32 s15, s9  }
.Ltmp1:
0x19: {  	[tilespmem:$0x8380] =	vst v0;
	(pc) =	sbr.rel @!p0 .LBB2_9-.Ltmp1, $4  }
0x1a: {  	[hbm4b:s8+s3] =	stream.linear.scatter [tilespmem:s13], [sflag:$0x3], $0x400, $0x38;
	[tilespmem:$0x8400] =	vst v63  }
0x1b: {  	_ =	swait.ge [sflag:s14], $0x400  }
0x1c: {  	[sflag:s14] =	ssyncset.done $0x0  }
0x1d: {  	[sflag:s14] =	ssyncadd.s32 $0xFFFFFC00  }
.LBB2_1:
0x1e: {  	v0 =	vimm.f32 $0.0e+00;
	v1 =	vimm.f32 $0.0e+00  }
0x1f: {  	[tilespmem:s3], [sflag:$0x1] =	stream.linear.gather [hbm4b:s4+s3], $0x4000, $0x38;
	v2 =	vimm.f32 $0.0e+00;
	v3 =	vimm.f32 $0.0e+00;
	v4 =	vimm.f32 $0.0e+00;
	[tilespmem:$0x8400] =	vst v63  }
0x20: {  	p0 =	por $0x1, $0x1;
	s18 =	smov.u32 s5;
	v5 =	vimm.f32 $0.0e+00;
	v6 =	vimm.f32 $0.0e+00;
	v15 =	vimm.f32 $0.0e+00;
	s16 =	simm.s32 $0x0  }
.LBB2_2:
0x21: {  	s17 =	simm.s32 $0x0  }
0x22: {  	[tilespmem:s10], [sflag:$0x2] =	stream.linear.gather [hbm4b:s18+s17], $0x4000, $0x38;
	[tilespmem:$0x8400] =	vst v63  }
0x23: {  	_ =	swait.ge [sflag:s11], $0x4000  }
0x24: {  	s24 =	sand.u32 $0x40, s17;
	s19 =	sand.u32 $0x3C00, s17;
	[sflag:s11] =	ssyncset.done $0x0  }
0x25: {  	s18 =	sor.u32 s24, s19;
	[sflag:s11] =	ssyncadd.s32 $0xFFFFC000  }
0x26: {  	v7 =	vld [tilespmem:s18+$0x30]  }
0x27: {  	v11 =	vld [tilespmem:s18+$0xB0]  }
0x28: {  	v8 =	vld [tilespmem:s18+$0x130]  }
0x29: {  	v12 =	vld [tilespmem:s18+$0x1B0]  }
0x2a: {  	v16 =	vld [tilespmem:s18+$0x20]  }
0x2b: {  	v20 =	vld [tilespmem:s18+$0xA0]  }
0x2c: {  	v17 =	vld [tilespmem:s18+$0x120]  }
0x2d: {  	v18 =	vld [tilespmem:s18+$0x1A0]  }
0x2e: {  	v27 =	vld [tilespmem:s18+$0x10]  }
0x2f: {  	v29 =	vld [tilespmem:s18+$0x90]  }
0x30: {  	v26 =	vld [tilespmem:s18+$0x110]  }
0x31: {  	p1 =	por $0x0, $0x0;
	s19 =	simm.s32 $0x1;
	v28 =	vld [tilespmem:s18+$0x190]  }
0x32: {  	s19 =	simm.s32 @!p1 $0x0;
	v9 =	vld [tilespmem:s18+$0x0]  }
0x33: {  	s19 =	sshll.u32 s19, $0x6;
	v10 =	vld [tilespmem:s18+$0x80]  }
0x34: {  	s21 =	sadd.s32 $0x0, s19;
	v30 =	vld [tilespmem:s18+$0x100]  }
0x35: {  	v31 =	vld [tilespmem:s18+$0x180];
	s25 =	sor.u32 $0x200, s21  }
0x36: {  	s26 =	sor.u32 $0x280, s21;
	v23 =	vld [tilespmem:s25+$0x0]  }
0x37: {  	s28 =	sor.u32 $0x300, s21;
	v24 =	vld [tilespmem:s26+$0x0]  }
0x38: {  	s29 =	sor.u32 $0x380, s21;
	s19 =	sadd.s32 $0x30, s21;
	v22 =	vld [tilespmem:s28+$0x0]  }
0x39: {  	v25 =	vld [tilespmem:s29+$0x0];
	s30 =	sor.u32 $0x200, s19  }
0x3a: {  	s20 =	sadd.s32 $0x20, s21;
	s31 =	sor.u32 $0x280, s19;
	v14 =	vld [tilespmem:s30+$0x0]  }
0x3b: {  	s18 =	simm.s32 $0x40;
	s22 =	sor.u32 $0x200, s20;
	v32 =	vadd.f32 v9, v15;
	v33 =	vadd.f32 v10, v6;
	v15 =	vld [tilespmem:s31+$0x0]  }
.LBB2_3:
0x3c: {  	p2 =	sne.s32 s18, $0x7C0;
	v5 =	vadd.f32 v30, v5;
	v4 =	vadd.f32 v31, v4;
	s21 =	sadd.s32 $0x10, s21;
	v6 =	vld [tilespmem:s22+$0x0];
	s22 =	sor.u32 $0x280, s20  }
0x3d: {  	v9 =	vadd.f32 v27, v32;
	v10 =	vadd.f32 v29, v33;
	s23 =	sor.u32 $0x200, s21;
	v13 =	vld [tilespmem:s22+$0x0]  }
0x3e: {  	s22 =	sor.u32 $0x280, s21;
	v5 =	vadd.f32 v26, v5;
	v4 =	vadd.f32 v28, v4;
	v19 =	vld [tilespmem:s23+$0x0]  }
0x3f: {  	v21 =	vld [tilespmem:s22+$0x0];
	s22 =	sor.u32 $0x300, s21;
	v9 =	vadd.f32 v16, v9;
	v10 =	vadd.f32 v20, v10  }
0x40: {  	s21 =	sor.u32 $0x380, s21;
	v16 =	vld [tilespmem:s22+$0x0];
	v5 =	vadd.f32 v17, v5;
	v4 =	vadd.f32 v18, v4  }
0x41: {  	v17 =	vld [tilespmem:s21+$0x0];
	s21 =	sor.u32 $0x300, s20;
	v9 =	vadd.f32 v7, v9;
	v10 =	vadd.f32 v11, v10  }
0x42: {  	s20 =	sor.u32 $0x380, s20;
	v18 =	vld [tilespmem:s21+$0x0];
	v5 =	vadd.f32 v8, v5;
	v4 =	vadd.f32 v12, v4  }
0x43: {  	v3 =	vadd.f32 v23, v3;
	v2 =	vadd.f32 v24, v2;
	s17 =	sadd.s32 $0x200, s17;
	v12 =	vld [tilespmem:s20+$0x0];
	s20 =	sor.u32 $0x300, s19  }
0x44: {  	v1 =	vadd.f32 v22, v1;
	v0 =	vadd.f32 v25, v0;
	s22 =	sand.u32 $0x3C00, s17;
	s21 =	sand.u32 $0x40, s18;
	s19 =	sor.u32 $0x380, s19;
	v20 =	vld [tilespmem:s20+$0x0]  }
0x45: {  	v3 =	vadd.f32 v19, v3;
	s20 =	sor.u32 s21, s22;
	v2 =	vadd.f32 v21, v2;
	v19 =	vld [tilespmem:s19+$0x0]  }
0x46: {  	v1 =	vadd.f32 v16, v1;
	v7 =	vld [tilespmem:s20+$0x30];
	v0 =	vadd.f32 v17, v0  }
0x47: {  	v3 =	vadd.f32 v6, v3;
	v2 =	vadd.f32 v13, v2;
	v11 =	vld [tilespmem:s20+$0xB0]  }
0x48: {  	v1 =	vadd.f32 v18, v1;
	v8 =	vld [tilespmem:s20+$0x130];
	v0 =	vadd.f32 v12, v0  }
0x49: {  	v3 =	vadd.f32 v14, v3;
	v2 =	vadd.f32 v15, v2;
	v12 =	vld [tilespmem:s20+$0x1B0]  }
0x4a: {  	v1 =	vadd.f32 v20, v1;
	v16 =	vld [tilespmem:s20+$0x20];
	v0 =	vadd.f32 v19, v0  }
0x4b: {  	v20 =	vld [tilespmem:s20+$0xA0]  }
0x4c: {  	v17 =	vld [tilespmem:s20+$0x120]  }
0x4d: {  	v18 =	vld [tilespmem:s20+$0x1A0]  }
0x4e: {  	v27 =	vld [tilespmem:s20+$0x10]  }
0x4f: {  	v29 =	vld [tilespmem:s20+$0x90]  }
0x50: {  	v26 =	vld [tilespmem:s20+$0x110]  }
0x51: {  	p1 =	por !p1, !p1;
	s19 =	simm.s32 $0x1;
	v28 =	vld [tilespmem:s20+$0x190]  }
0x52: {  	s19 =	simm.s32 @!p1 $0x0;
	v6 =	vld [tilespmem:s20+$0x0]  }
0x53: {  	s19 =	sshll.u32 s19, $0x6;
	v13 =	vld [tilespmem:s20+$0x80]  }
0x54: {  	s21 =	sadd.s32 s19, s17;
	v30 =	vld [tilespmem:s20+$0x100]  }
0x55: {  	s19 =	sor.u32 $0x200, s21;
	v31 =	vld [tilespmem:s20+$0x180]  }
0x56: {  	v23 =	vld [tilespmem:s19+$0x0];
	s19 =	sor.u32 $0x280, s21  }
.Ltmp2:
0x57: {  	v24 =	vld [tilespmem:s19+$0x0];
	s19 =	sor.u32 $0x300, s21;
	(pc) =	sbr.rel @p2 .LBB2_3-.Ltmp2, $4  }
0x58: {  	s20 =	sor.u32 $0x380, s21;
	v22 =	vld [tilespmem:s19+$0x0];
	s19 =	sadd.s32 $0x30, s21  }
0x59: {  	v25 =	vld [tilespmem:s20+$0x0];
	s22 =	sor.u32 $0x200, s19  }
0x5a: {  	s20 =	sadd.s32 $0x20, s21;
	s23 =	sor.u32 $0x280, s19;
	v14 =	vld [tilespmem:s22+$0x0]  }
0x5b: {  	s18 =	sadd.s32 $0x40, s18;
	v32 =	vadd.f32 v6, v9;
	v33 =	vadd.f32 v13, v10;
	s22 =	sor.u32 $0x200, s20;
	v15 =	vld [tilespmem:s23+$0x0]  }
0x5c: {  	v34 =	vld [tilespmem:s22+$0x0];
	s18 =	sor.u32 $0x280, s20  }
0x5d: {  	s17 =	sadd.s32 $0x10, s21;
	s31 =	sor.u32 $0x300, s20;
	v35 =	vld [tilespmem:s18+$0x0]  }
0x5e: {  	s21 =	sor.u32 $0x200, s17;
	v40 =	vld [tilespmem:s31+$0x0]  }
0x5f: {  	s29 =	sor.u32 $0x280, s17;
	v36 =	vld [tilespmem:s21+$0x0]  }
0x60: {  	s30 =	sor.u32 $0x300, s17;
	v37 =	vld [tilespmem:s29+$0x0]  }
0x61: {  	s17 =	sor.u32 $0x380, s17;
	v38 =	vld [tilespmem:s30+$0x0]  }
0x62: {  	s16 =	sadd.s32 s16, s6;
	s18 =	sor.u32 $0x380, s20;
	v39 =	vld [tilespmem:s17+$0x0]  }
0x63: {  	s20 =	sor.u32 $0x300, s19;
	s16 =	sshrl.u32 s16, $0x3;
	v41 =	vld [tilespmem:s18+$0x0]  }
0x64: {  	v42 =	vld [tilespmem:s20+$0x0];
	s21 =	sor.u32 $0x380, s19;
	s22 =	sadd.s32 s2, s16;
	s16 =	simm.s32 $0x0  }
0x65: {  	v43 =	vld [tilespmem:s21+$0x0];
	[tilespmem:s16], [sflag:$0x1] =	stream.linear.gather [hbm4b:s22+s16], $0x4000, $0x38  }
0x66: {  	_ =	swait.ge [sflag:s12], $0x4000  }
0x67: {  	s23 =	sand.u32 $0x40, s16;
	s24 =	sand.u32 $0x3C00, s16;
	[sflag:s12] =	ssyncset.done $0x0  }
0x68: {  	s17 =	sor.u32 s23, s24;
	[sflag:s12] =	ssyncadd.s32 $0xFFFFC000  }
0x69: {  	v6 =	vld [tilespmem:s17+$0x4030]  }
0x6a: {  	v10 =	vld [tilespmem:s17+$0x40B0]  }
0x6b: {  	v9 =	vld [tilespmem:s17+$0x4130]  }
0x6c: {  	v13 =	vld [tilespmem:s17+$0x41B0]  }
0x6d: {  	v19 =	vld [tilespmem:s17+$0x4020]  }
0x6e: {  	v21 =	vld [tilespmem:s17+$0x40A0]  }
0x6f: {  	v30 =	vadd.f32 v30, v5;
	v31 =	vadd.f32 v31, v4;
	v4 =	vld [tilespmem:s17+$0x4120]  }
0x70: {  	v27 =	vadd.f32 v27, v32;
	v29 =	vadd.f32 v29, v33;
	v5 =	vld [tilespmem:s17+$0x41A0]  }
0x71: {  	v30 =	vadd.f32 v26, v30;
	v28 =	vadd.f32 v28, v31;
	v26 =	vld [tilespmem:s17+$0x4010]  }
0x72: {  	v16 =	vadd.f32 v16, v27;
	v27 =	vadd.f32 v20, v29;
	v20 =	vld [tilespmem:s17+$0x4090]  }
0x73: {  	v17 =	vadd.f32 v17, v30;
	v28 =	vadd.f32 v18, v28;
	v18 =	vld [tilespmem:s17+$0x4110]  }
0x74: {  	p1 =	por $0x0, $0x0;
	s18 =	simm.s32 $0x1;
	v29 =	vadd.f32 v7, v16;
	v63 =	vadd.f32 v11, v27;
	v27 =	vld [tilespmem:s17+$0x4190]  }
0x75: {  	s18 =	simm.s32 @!p1 $0x0;
	v7 =	vadd.f32 v8, v17;
	v8 =	vadd.f32 v12, v28;
	v12 =	vld [tilespmem:s17+$0x4000]  }
0x76: {  	v3 =	vadd.f32 v23, v3;
	v2 =	vadd.f32 v24, v2;
	s18 =	sshll.u32 s18, $0x6;
	v28 =	vld [tilespmem:s17+$0x4080]  }
0x77: {  	v1 =	vadd.f32 v22, v1;
	v0 =	vadd.f32 v25, v0;
	s20 =	sadd.s32 $0x0, s18;
	v23 =	vld [tilespmem:s17+$0x4100]  }
0x78: {  	s25 =	sor.u32 $0x200, s20;
	v3 =	vadd.f32 v36, v3;
	v2 =	vadd.f32 v37, v2;
	v24 =	vld [tilespmem:s17+$0x4180]  }
0x79: {  	s26 =	sor.u32 $0x280, s20;
	v1 =	vadd.f32 v38, v1;
	v0 =	vadd.f32 v39, v0;
	v16 =	vld [tilespmem:s25+$0x4000]  }
0x7a: {  	s28 =	sor.u32 $0x300, s20;
	v22 =	vld [tilespmem:s26+$0x4000];
	v3 =	vadd.f32 v34, v3;
	v11 =	vadd.f32 v35, v2  }
0x7b: {  	s29 =	sor.u32 $0x380, s20;
	s18 =	sadd.s32 $0x30, s20;
	v17 =	vld [tilespmem:s28+$0x4000];
	v1 =	vadd.f32 v40, v1;
	v25 =	vadd.f32 v41, v0  }
0x7c: {  	s30 =	sor.u32 $0x200, s18;
	v2 =	vadd.f32 v14, v3;
	v3 =	vadd.f32 v15, v11;
	v14 =	vld [tilespmem:s29+$0x4000]  }
0x7d: {  	s19 =	sadd.s32 $0x20, s20;
	s31 =	sor.u32 $0x280, s18;
	v0 =	vadd.f32 v42, v1;
	v1 =	vadd.f32 v43, v25;
	v11 =	vld [tilespmem:s30+$0x4000]  }
0x7e: {  	s21 =	sor.u32 $0x200, s19;
	s17 =	simm.s32 $0x40;
	v15 =	vadd.f32 v12, v29;
	v25 =	vadd.f32 v28, v63;
	v12 =	vld [tilespmem:s31+$0x4000]  }
.LBB2_5:
0x7f: {  	p2 =	sne.s32 s17, $0x7C0;
	v7 =	vadd.f32 v23, v7;
	v8 =	vadd.f32 v24, v8;
	s20 =	sadd.s32 $0x10, s20;
	v23 =	vld [tilespmem:s21+$0x4000];
	s21 =	sor.u32 $0x280, s19  }
0x80: {  	v15 =	vadd.f32 v26, v15;
	v20 =	vadd.f32 v20, v25;
	s22 =	sor.u32 $0x200, s20;
	v24 =	vld [tilespmem:s21+$0x4000]  }
0x81: {  	s21 =	sor.u32 $0x280, s20;
	v7 =	vadd.f32 v18, v7;
	v8 =	vadd.f32 v27, v8;
	v18 =	vld [tilespmem:s22+$0x4000]  }
0x82: {  	v25 =	vld [tilespmem:s21+$0x4000];
	s21 =	sor.u32 $0x300, s20;
	v15 =	vadd.f32 v19, v15;
	v19 =	vadd.f32 v21, v20  }
0x83: {  	s20 =	sor.u32 $0x380, s20;
	v20 =	vld [tilespmem:s21+$0x4000];
	v4 =	vadd.f32 v4, v7;
	v5 =	vadd.f32 v5, v8  }
0x84: {  	v21 =	vld [tilespmem:s20+$0x4000];
	s20 =	sor.u32 $0x300, s19;
	v15 =	vadd.f32 v6, v15;
	v28 =	vadd.f32 v10, v19  }
0x85: {  	s19 =	sor.u32 $0x380, s19;
	v19 =	vld [tilespmem:s20+$0x4000];
	v7 =	vadd.f32 v9, v4;
	v8 =	vadd.f32 v13, v5  }
0x86: {  	v2 =	vadd.f32 v16, v2;
	v3 =	vadd.f32 v22, v3;
	s16 =	sadd.s32 $0x200, s16;
	v4 =	vld [tilespmem:s19+$0x4000];
	s19 =	sor.u32 $0x300, s18  }
0x87: {  	v0 =	vadd.f32 v17, v0;
	v1 =	vadd.f32 v14, v1;
	s21 =	sand.u32 $0x3C00, s16;
	s20 =	sand.u32 $0x40, s17;
	s18 =	sor.u32 $0x380, s18;
	v5 =	vld [tilespmem:s19+$0x4000]  }
0x88: {  	v2 =	vadd.f32 v18, v2;
	s19 =	sor.u32 s20, s21;
	v3 =	vadd.f32 v25, v3;
	v14 =	vld [tilespmem:s18+$0x4000]  }
0x89: {  	v0 =	vadd.f32 v20, v0;
	v6 =	vld [tilespmem:s19+$0x4030];
	v1 =	vadd.f32 v21, v1  }
0x8a: {  	v2 =	vadd.f32 v23, v2;
	v3 =	vadd.f32 v24, v3;
	v10 =	vld [tilespmem:s19+$0x40B0]  }
0x8b: {  	v0 =	vadd.f32 v19, v0;
	v9 =	vld [tilespmem:s19+$0x4130];
	v1 =	vadd.f32 v4, v1  }
0x8c: {  	v2 =	vadd.f32 v11, v2;
	v3 =	vadd.f32 v12, v3;
	v13 =	vld [tilespmem:s19+$0x41B0]  }
0x8d: {  	v0 =	vadd.f32 v5, v0;
	v19 =	vld [tilespmem:s19+$0x4020];
	v1 =	vadd.f32 v14, v1  }
0x8e: {  	v21 =	vld [tilespmem:s19+$0x40A0]  }
0x8f: {  	v4 =	vld [tilespmem:s19+$0x4120]  }
0x90: {  	v5 =	vld [tilespmem:s19+$0x41A0]  }
0x91: {  	v26 =	vld [tilespmem:s19+$0x4010]  }
0x92: {  	v20 =	vld [tilespmem:s19+$0x4090]  }
0x93: {  	v18 =	vld [tilespmem:s19+$0x4110]  }
0x94: {  	p1 =	por !p1, !p1;
	s18 =	simm.s32 $0x1;
	v27 =	vld [tilespmem:s19+$0x4190]  }
0x95: {  	s18 =	simm.s32 @!p1 $0x0;
	v12 =	vld [tilespmem:s19+$0x4000]  }
0x96: {  	s18 =	sshll.u32 s18, $0x6;
	v25 =	vld [tilespmem:s19+$0x4080]  }
0x97: {  	s20 =	sadd.s32 s18, s16;
	v23 =	vld [tilespmem:s19+$0x4100]  }
0x98: {  	s18 =	sor.u32 $0x200, s20;
	v24 =	vld [tilespmem:s19+$0x4180]  }
0x99: {  	v16 =	vld [tilespmem:s18+$0x4000];
	s18 =	sor.u32 $0x280, s20  }
.Ltmp3:
0x9a: {  	v22 =	vld [tilespmem:s18+$0x4000];
	s18 =	sor.u32 $0x300, s20;
	(pc) =	sbr.rel @p2 .LBB2_5-.Ltmp3, $4  }
0x9b: {  	s19 =	sor.u32 $0x380, s20;
	v17 =	vld [tilespmem:s18+$0x4000];
	s18 =	sadd.s32 $0x30, s20  }
0x9c: {  	v14 =	vld [tilespmem:s19+$0x4000];
	s21 =	sor.u32 $0x200, s18  }
0x9d: {  	s19 =	sadd.s32 $0x20, s20;
	s22 =	sor.u32 $0x280, s18;
	v11 =	vld [tilespmem:s21+$0x4000]  }
0x9e: {  	s17 =	sadd.s32 $0x40, s17;
	v15 =	vadd.f32 v12, v15;
	v25 =	vadd.f32 v25, v28;
	s21 =	sor.u32 $0x200, s19;
	v12 =	vld [tilespmem:s22+$0x4000]  }
0x9f: {  	v7 =	vadd.f32 v23, v7;
	v8 =	vadd.f32 v24, v8;
	s16 =	sadd.s32 $0x10, s20;
	v56 =	vld [tilespmem:s21+$0x4000];
	s17 =	sor.u32 $0x280, s19  }
0xa0: {  	v2 =	vadd.f32 v16, v2;
	v3 =	vadd.f32 v22, v3;
	s20 =	sor.u32 $0x200, s16;
	v57 =	vld [tilespmem:s17+$0x4000]  }
0xa1: {  	v15 =	vadd.f32 v26, v15;
	v20 =	vadd.f32 v20, v25;
	s25 =	sor.u32 $0x280, s16;
	v58 =	vld [tilespmem:s20+$0x4000]  }
0xa2: {  	s26 =	sor.u32 $0x300, s16;
	v7 =	vadd.f32 v18, v7;
	v8 =	vadd.f32 v27, v8;
	v59 =	vld [tilespmem:s25+$0x4000]  }
0xa3: {  	s16 =	sor.u32 $0x380, s16;
	v0 =	vadd.f32 v17, v0;
	v61 =	vld [tilespmem:s26+$0x4000];
	v1 =	vadd.f32 v14, v1  }
0xa4: {  	s28 =	sor.u32 $0x300, s19;
	v4 =	vadd.f32 v4, v7;
	v7 =	vadd.f32 v5, v8;
	v8 =	vld [tilespmem:s16+$0x4000]  }
0xa5: {  	s29 =	sor.u32 $0x380, s19;
	v62 =	vld [tilespmem:s28+$0x4000];
	v15 =	vadd.f32 v19, v15;
	v60 =	vadd.f32 v21, v20  }
0xa6: {  	s30 =	sor.u32 $0x300, s18;
	v5 =	vadd.f32 v9, v4;
	v4 =	vadd.f32 v13, v7;
	v7 =	vld [tilespmem:s29+$0x4000]  }
0xa7: {  	s31 =	sor.u32 $0x380, s18;
	v63 =	vld [tilespmem:s30+$0x4000];
	v15 =	vadd.f32 v6, v15;
	v6 =	vadd.f32 v10, v60  }
0xa8: {  	v13 =	vld [tilespmem:s31+$0x4000];
	v2 =	vadd.f32 v58, v2;
	v3 =	vadd.f32 v59, v3  }
.Ltmp4:
0xa9: {  	v0 =	vadd.f32 v61, v0;
	v1 =	vadd.f32 v8, v1;
	(pc) =	sbr.rel @!p0 .LBB2_8-.Ltmp4, $4  }
0xaa: {  	v2 =	vadd.f32 v56, v2;
	v8 =	vadd.f32 v57, v3  }
0xab: {  	v0 =	vadd.f32 v62, v0;
	v7 =	vadd.f32 v7, v1  }
0xac: {  	v3 =	vadd.f32 v11, v2;
	v2 =	vadd.f32 v12, v8  }
0xad: {  	v1 =	vadd.f32 v63, v0;
	v0 =	vadd.f32 v13, v7  }
.Ltmp5:
0xae: {  	(pc) =	sbr.rel .LBB2_2-.Ltmp5, $2  }
0xaf: {  	_ =	sdelay $0x2  }
0xb0: {  	s16 =	simm.s32 $0x8000;
	p0 =	por $0x0, $0x0;
	s18 =	smov.u32 s7  }
.LBB2_9:
0xb1: {  	_ =	sfence.sel $0x180000  }
0xb2: {  	[bflag:$0x0] =	sbarrier.arrive $0xFFFF  }
0xb3: {  	p0 =	sne.s32 s1, $0x0;
	_ =	strace $0x90000047  }
0xb4: {  	s0 =	sadd.s32 @!p0 $0x100000, s0;
	[bflag:$0x2] =	sbarrier.arrive $0xFFFF  }
0xb5: {  	[sflag:s0] =	ssyncadd.tile.s32 @!p0 $0x1;
	_ =	shalt  }
.Lfunc_end2:
_tile_overlayer_lowered:
.L_overlay_start_2:
0xb6: {  	(tag) =	ssettag $0x2  }
0xb7: {  	s0 =	rddreg [dreg:$0x0];
	s2 =	stileid.u32  }
0xb8: {  	s1 =	rddreg [dreg:$0x1];
	p0 =	sne.s32 s2, $0x0  }
0xb9: {  	s3 =	rddreg [dreg:$0x2];
	[bflag:$0x3] =	sbarrier.arrive $0xFFFF;
	s2 =	simm.s32 @!p0 $0x1C03  }
0xba: {  	[timem:s3], [sflag:s2] =	dma.local @!p0 [hbm:s0], s1  }
0xbb: {  	s0 =	simm.s32 @!p0 $0x3  }
0xbc: {  	_ =	swait.ge @!p0 [sflag:s0], s1  }
0xbd: {  	s1 =	ssub.s32 @!p0 $0x0, s1;
	[sflag:s0] =	ssyncset.done @!p0 $0x0  }
0xbe: {  	[sflag:s0] =	ssyncadd.s32 @!p0 s1  }
0xbf: {  	[bflag:$0x3] =	sbarrier.arrive $0xFFFF  }
0xc0: {  	_ =	shalt  }

</sc_bundles>
